<compile_context>
chip_gen: v7x
topology: tpu7x:2x2x1
jax: 0.10.2.dev20260603
libtpu: 0.0.44.dev20260713+nightly
codegen_flags: <defaults>
</compile_context>

<pallas_src>
import functools

import jax
import jax.numpy as jnp
from jax import lax
from jax.experimental import pallas as pl
from jax.experimental.pallas import tpu as pltpu
from jax.experimental.pallas import tpu_sc as plsc

L = 131072
_INFO = plsc.get_sparse_core_info()
NC = _INFO.num_cores
NS = _INFO.num_subcores
LANES = _INFO.num_lanes
NW = NC * NS
CHUNK = L // NW
NSUB = 4
SUB = CHUNK // NSUB


def _body(seq_hbm, out_hbm, idx_v, rows_v, sem_in, sem_out):
    wid = lax.axis_index("s") * NC + lax.axis_index("c")
    base = wid * CHUNK

    in_copies = [
        pltpu.async_copy(
            seq_hbm.at[pl.ds(base + s * SUB, SUB)], idx_v.at[s], sem_in
        )
        for s in range(NSUB)
    ]

    out_copies = []
    for s in range(NSUB):
        in_copies[s].wait()

        def step(i, carry, s=s):
            off = i * LANES
            v = idx_v[s, pl.ds(off, LANES)]
            fn = jnp.where(v == 4, jnp.float32(0.25), jnp.float32(0.0))
            for c in range(4):
                rows_v[c, pl.ds(s * SUB + off, LANES)] = jnp.where(
                    v == c, jnp.float32(1.0), fn
                )
            return carry

        lax.fori_loop(0, SUB // LANES, step, 0)

        for c in range(4):
            out_copies.append(
                pltpu.async_copy(
                    rows_v.at[c, pl.ds(s * SUB, SUB)],
                    out_hbm.at[c, pl.ds(base + s * SUB, SUB)],
                    sem_out,
                )
            )

    for cp in out_copies:
        cp.wait()


@jax.jit
def _seq2tensor(seq):
    run = functools.partial(
        pl.kernel,
        out_type=jax.ShapeDtypeStruct((4, L), jnp.float32),
        mesh=plsc.VectorSubcoreMesh(core_axis_name="c", subcore_axis_name="s"),
        scratch_types=[
            pltpu.VMEM((NSUB, SUB), jnp.int32),
            pltpu.VMEM((4, CHUNK), jnp.float32),
            pltpu.SemaphoreType.DMA,
            pltpu.SemaphoreType.DMA,
        ],
    )(_body)
    return run(seq)


def kernel(seq):
    return _seq2tensor(seq.astype(jnp.int32))

# --- scband reference (transcript-rebuilt; emitter-appended) ---
"""Pipeline reference for scband-seq2-tensor-36060545417248 (READ-ONLY COPY).

The authoritative reference and input builder live on the scoring server;
editing this copy changes nothing except your own understanding.
"""

import jax, jax.numpy as jnp
import numpy as np

L = 131072

def setup_inputs(seed: int = 0) -> dict:
    key = jax.random.key(seed)
    # integer codes 0..4 standing in for characters A,C,G,T,N (CODES mapping applied upstream)
    seq = jax.random.randint(key, (L,), 0, 5, dtype=jnp.int64)
    return {"seq": seq}

def reference(seq) -> jnp.ndarray:
    # F.one_hot(code, num_classes=5)
    code = jax.nn.one_hot(seq, 5, dtype=jnp.float32)
    # code[code[:, 4] == 1] = 0.25  -> rows that were 'N' become all 0.25
    is_n = code[:, 4] == 1.0
    code = jnp.where(is_n[:, None], 0.25, code)
    # code = code[:, :4].float(); return code.transpose(0, 1)
    code = code[:, :4]
    return code.T

if __name__ == "__main__":
    import jax
    _d = setup_inputs()
    print(jax.jit(kernel)(*tuple(_d.values())))

</pallas_src>

<mosaic_0001>
#map = affine_map<(d0, d1) -> (0)>
#map1 = affine_map<(d0, d1) -> (0, 0)>
module attributes {stable_mosaic.version = 14 : i64} {
  func.func @_body(%arg0: i32, %arg1: i32, %arg2: memref<131072xi32, #tpu.memory_space<hbm>>, %arg3: memref<4x131072xf32, #tpu.memory_space<hbm>>, %arg4: memref<4x1024xi32, #tpu.memory_space<vmem>>, %arg5: memref<4x4096xf32, #tpu.memory_space<vmem>>, %arg6: memref<!tpu.dma_semaphore, #tpu.memory_space<semaphore_mem>>, %arg7: memref<!tpu.dma_semaphore, #tpu.memory_space<semaphore_mem>>) attributes {dimension_semantics = [#tpu.dimension_semantics<core_parallel>, #tpu.dimension_semantics<subcore_parallel>], iteration_bounds = array<i64: 2, 16>, scalar_prefetch = 0 : i64, scratch_operands = 4 : i64, tpu.core_type = #tpu.core_type<sc_vector_subcore>, window_params = [{transform_indices = #map}, {transform_indices = #map1}]} {
    %mul3A = arith.constant 2 : i32
    %mul3A_0 = arith.muli %arg1, %mul3A : i32
    %add3A = arith.addi %mul3A_0, %arg0 : i32
    %mul3A_1 = arith.constant 4096 : i32
    %mul3A_2 = arith.muli %add3A, %mul3A_1 : i32
    %add3A_3 = arith.constant 0 : i32
    %add3A_4 = arith.addi %mul3A_2, %add3A_3 : i32
    %dma_start3A = arith.constant 0 : i32
    %dma_start3A_5 = arith.constant 0 : i32
    %dma_start3A_6 = tpu.memref_slice %arg4[%dma_start3A, %dma_start3A_5] : memref<4x1024xi32, #tpu.memory_space<vmem>> -> memref<1x1024xi32, #tpu.memory_space<vmem>>
    %dma_start3A_7 = tpu.memref_squeeze %dma_start3A_6 : memref<1x1024xi32, #tpu.memory_space<vmem>> -> memref<1024xi32, #tpu.memory_space<vmem>>
    %dma_start3A_8 = tpu.memref_slice %arg2[%add3A_4] : memref<131072xi32, #tpu.memory_space<hbm>> -> memref<1024xi32, #tpu.memory_space<hbm>>
    %dma_start3A_9 = arith.constant 0 : i32
    %dma_start3A_10 = tpu.memref_slice %arg4[%dma_start3A, %dma_start3A_9] : memref<4x1024xi32, #tpu.memory_space<vmem>> -> memref<1x1024xi32, #tpu.memory_space<vmem>>
    %dma_start3A_11 = tpu.memref_squeeze %dma_start3A_10 : memref<1x1024xi32, #tpu.memory_space<vmem>> -> memref<1024xi32, #tpu.memory_space<vmem>>
    %dma_start3A_12 = tpu.memref_slice %arg2[%add3A_4] : memref<131072xi32, #tpu.memory_space<hbm>> -> memref<1024xi32, #tpu.memory_space<hbm>>
    tpu.enqueue_dma source(%dma_start3A_12 : memref<1024xi32, #tpu.memory_space<hbm>>) target(%dma_start3A_11 : memref<1024xi32, #tpu.memory_space<vmem>>) target_semaphore(%arg6 : memref<!tpu.dma_semaphore, #tpu.memory_space<semaphore_mem>>)
    %add3A_13 = arith.constant 1024 : i32
    %add3A_14 = arith.addi %mul3A_2, %add3A_13 : i32
    %dma_start3A_15 = arith.constant 1 : i32
    %dma_start3A_16 = arith.constant 0 : i32
    %dma_start3A_17 = tpu.memref_slice %arg4[%dma_start3A_15, %dma_start3A_16] : memref<4x1024xi32, #tpu.memory_space<vmem>> -> memref<1x1024xi32, #tpu.memory_space<vmem>>
    %dma_start3A_18 = tpu.memref_squeeze %dma_start3A_17 : memref<1x1024xi32, #tpu.memory_space<vmem>> -> memref<1024xi32, #tpu.memory_space<vmem>>
    %dma_start3A_19 = tpu.memref_slice %arg2[%add3A_14] : memref<131072xi32, #tpu.memory_space<hbm>> -> memref<1024xi32, #tpu.memory_space<hbm>>
    %dma_start3A_20 = arith.constant 0 : i32
    %dma_start3A_21 = tpu.memref_slice %arg4[%dma_start3A_15, %dma_start3A_20] : memref<4x1024xi32, #tpu.memory_space<vmem>> -> memref<1x1024xi32, #tpu.memory_space<vmem>>
    %dma_start3A_22 = tpu.memref_squeeze %dma_start3A_21 : memref<1x1024xi32, #tpu.memory_space<vmem>> -> memref<1024xi32, #tpu.memory_space<vmem>>
    %dma_start3A_23 = tpu.memref_slice %arg2[%add3A_14] : memref<131072xi32, #tpu.memory_space<hbm>> -> memref<1024xi32, #tpu.memory_space<hbm>>
    tpu.enqueue_dma source(%dma_start3A_23 : memref<1024xi32, #tpu.memory_space<hbm>>) target(%dma_start3A_22 : memref<1024xi32, #tpu.memory_space<vmem>>) target_semaphore(%arg6 : memref<!tpu.dma_semaphore, #tpu.memory_space<semaphore_mem>>)
    %add3A_24 = arith.constant 2048 : i32
    %add3A_25 = arith.addi %mul3A_2, %add3A_24 : i32
    %dma_start3A_26 = arith.constant 2 : i32
    %dma_start3A_27 = arith.constant 0 : i32
    %dma_start3A_28 = tpu.memref_slice %arg4[%dma_start3A_26, %dma_start3A_27] : memref<4x1024xi32, #tpu.memory_space<vmem>> -> memref<1x1024xi32, #tpu.memory_space<vmem>>
    %dma_start3A_29 = tpu.memref_squeeze %dma_start3A_28 : memref<1x1024xi32, #tpu.memory_space<vmem>> -> memref<1024xi32, #tpu.memory_space<vmem>>
    %dma_start3A_30 = tpu.memref_slice %arg2[%add3A_25] : memref<131072xi32, #tpu.memory_space<hbm>> -> memref<1024xi32, #tpu.memory_space<hbm>>
    %dma_start3A_31 = arith.constant 0 : i32
    %dma_start3A_32 = tpu.memref_slice %arg4[%dma_start3A_26, %dma_start3A_31] : memref<4x1024xi32, #tpu.memory_space<vmem>> -> memref<1x1024xi32, #tpu.memory_space<vmem>>
    %dma_start3A_33 = tpu.memref_squeeze %dma_start3A_32 : memref<1x1024xi32, #tpu.memory_space<vmem>> -> memref<1024xi32, #tpu.memory_space<vmem>>
    %dma_start3A_34 = tpu.memref_slice %arg2[%add3A_25] : memref<131072xi32, #tpu.memory_space<hbm>> -> memref<1024xi32, #tpu.memory_space<hbm>>
    tpu.enqueue_dma source(%dma_start3A_34 : memref<1024xi32, #tpu.memory_space<hbm>>) target(%dma_start3A_33 : memref<1024xi32, #tpu.memory_space<vmem>>) target_semaphore(%arg6 : memref<!tpu.dma_semaphore, #tpu.memory_space<semaphore_mem>>)
    %add3A_35 = arith.constant 3072 : i32
    %add3A_36 = arith.addi %mul3A_2, %add3A_35 : i32
    %dma_start3A_37 = arith.constant 3 : i32
    %dma_start3A_38 = arith.constant 0 : i32
    %dma_start3A_39 = tpu.memref_slice %arg4[%dma_start3A_37, %dma_start3A_38] : memref<4x1024xi32, #tpu.memory_space<vmem>> -> memref<1x1024xi32, #tpu.memory_space<vmem>>
    %dma_start3A_40 = tpu.memref_squeeze %dma_start3A_39 : memref<1x1024xi32, #tpu.memory_space<vmem>> -> memref<1024xi32, #tpu.memory_space<vmem>>
    %dma_start3A_41 = tpu.memref_slice %arg2[%add3A_36] : memref<131072xi32, #tpu.memory_space<hbm>> -> memref<1024xi32, #tpu.memory_space<hbm>>
    %dma_start3A_42 = arith.constant 0 : i32
    %dma_start3A_43 = tpu.memref_slice %arg4[%dma_start3A_37, %dma_start3A_42] : memref<4x1024xi32, #tpu.memory_space<vmem>> -> memref<1x1024xi32, #tpu.memory_space<vmem>>
    %dma_start3A_44 = tpu.memref_squeeze %dma_start3A_43 : memref<1x1024xi32, #tpu.memory_space<vmem>> -> memref<1024xi32, #tpu.memory_space<vmem>>
    %dma_start3A_45 = tpu.memref_slice %arg2[%add3A_36] : memref<131072xi32, #tpu.memory_space<hbm>> -> memref<1024xi32, #tpu.memory_space<hbm>>
    tpu.enqueue_dma source(%dma_start3A_45 : memref<1024xi32, #tpu.memory_space<hbm>>) target(%dma_start3A_44 : memref<1024xi32, #tpu.memory_space<vmem>>) target_semaphore(%arg6 : memref<!tpu.dma_semaphore, #tpu.memory_space<semaphore_mem>>)
    %dma_wait3A = arith.constant 0 : i32
    %dma_wait3A_46 = arith.constant 0 : i32
    %dma_wait3A_47 = tpu.memref_slice %arg4[%dma_wait3A, %dma_wait3A_46] : memref<4x1024xi32, #tpu.memory_space<vmem>> -> memref<1x1024xi32, #tpu.memory_space<vmem>>
    %dma_wait3A_48 = tpu.memref_squeeze %dma_wait3A_47 : memref<1x1024xi32, #tpu.memory_space<vmem>> -> memref<1024xi32, #tpu.memory_space<vmem>>
    %dma_wait3A_49 = tpu.memref_slice %arg2[%add3A_4] : memref<131072xi32, #tpu.memory_space<hbm>> -> memref<1024xi32, #tpu.memory_space<hbm>>
    %dma_wait3A_50 = arith.constant 0 : i32
    %dma_wait3A_51 = tpu.memref_slice %arg4[%dma_wait3A, %dma_wait3A_50] : memref<4x1024xi32, #tpu.memory_space<vmem>> -> memref<1x1024xi32, #tpu.memory_space<vmem>>
    %dma_wait3A_52 = tpu.memref_squeeze %dma_wait3A_51 : memref<1x1024xi32, #tpu.memory_space<vmem>> -> memref<1024xi32, #tpu.memory_space<vmem>>
    %dma_wait3A_53 = tpu.memref_slice %arg2[%add3A_4] : memref<131072xi32, #tpu.memory_space<hbm>> -> memref<1024xi32, #tpu.memory_space<hbm>>
    tpu.wait_dma2 semaphore(%arg6 : memref<!tpu.dma_semaphore, #tpu.memory_space<semaphore_mem>>) src(%dma_wait3A_53 : memref<1024xi32, #tpu.memory_space<hbm>>) dst(%dma_wait3A_52 : memref<1024xi32, #tpu.memory_space<vmem>>)
    %scan3A = arith.constant 0 : i32
    %scan3A_54 = arith.constant 0 : i32
    %scan3A_55 = arith.constant 64 : i32
    %scan3A_56 = arith.addi %scan3A_54, %scan3A_55 : i32
    %scan3A_57 = arith.constant 1 : i32
    scf.for %scan3A_520 = %scan3A_54 to %scan3A_56 step %scan3A_57  : i32 {
      %mul3A_521 = arith.constant 16 : i32
      %mul3A_522 = arith.muli %scan3A_520, %mul3A_521 : i32
      %get3A = arith.constant 0 : i32
      %get3A_523 = arith.index_cast %get3A : i32 to index
      %get3A_524 = arith.index_cast %mul3A_522 : i32 to index
      %get3A_525 = tpu.vector_load %arg4[%get3A_523, %get3A_524] {strides = array<i32>} : memref<4x1024xi32, #tpu.memory_space<vmem>>, vector<1x16xi32>,
      %get3A_526 = vector.shape_cast %get3A_525 : vector<1x16xi32> to vector<16xi32>
      %eq3A = arith.constant 4 : i32
      %eq3A_527 = vector.broadcast %eq3A : i32 to vector<16xi32>
      %eq3A_528 = arith.cmpi eq, %get3A_526, %eq3A_527 : vector<16xi32>
      %jit3A = arith.constant 2.500000e-01 : f32
      %jit3A_529 = arith.constant 0.000000e+00 : f32
      %broadcast_in_dim3A = vector.broadcast %jit3A : f32 to vector<16xf32>
      %broadcast_in_dim3A_530 = vector.broadcast %jit3A_529 : f32 to vector<16xf32>
      %select_n3A = arith.select %eq3A_528, %broadcast_in_dim3A, %broadcast_in_dim3A_530 : vector<16xi1>, vector<16xf32>
      %eq3A_531 = arith.constant 0 : i32
      %eq3A_532 = vector.broadcast %eq3A_531 : i32 to vector<16xi32>
      %eq3A_533 = arith.cmpi eq, %get3A_526, %eq3A_532 : vector<16xi32>
      %jit3A_534 = arith.constant 1.000000e+00 : f32
      %broadcast_in_dim3A_535 = vector.broadcast %jit3A_534 : f32 to vector<16xf32>
      %select_n3A_536 = arith.select %eq3A_533, %broadcast_in_dim3A_535, %select_n3A : vector<16xi1>, vector<16xf32>
      %add3A_537 = arith.constant 0 : i32
      %add3A_538 = arith.addi %add3A_537, %mul3A_522 : i32
      %swap3A = arith.constant 0 : i32
      %swap3A_539 = arith.index_cast %swap3A : i32 to index
      %swap3A_540 = arith.index_cast %add3A_538 : i32 to index
      %swap3A_541 = tpu.vector_load %arg5[%swap3A_539, %swap3A_540] {strides = array<i32>} : memref<4x4096xf32, #tpu.memory_space<vmem>>, vector<1x16xf32>,
      %swap3A_542 = vector.shape_cast %swap3A_541 : vector<1x16xf32> to vector<16xf32>
      %swap3A_543 = vector.shape_cast %select_n3A_536 : vector<16xf32> to vector<1x16xf32>
      tpu.vector_store %arg5[%swap3A_539, %swap3A_540], %swap3A_543 {strides = array<i32>} : memref<4x4096xf32, #tpu.memory_space<vmem>>, vector<1x16xf32>,
      %eq3A_544 = arith.constant 1 : i32
      %eq3A_545 = vector.broadcast %eq3A_544 : i32 to vector<16xi32>
      %eq3A_546 = arith.cmpi eq, %get3A_526, %eq3A_545 : vector<16xi32>
      %jit3A_547 = arith.constant 1.000000e+00 : f32
      %broadcast_in_dim3A_548 = vector.broadcast %jit3A_547 : f32 to vector<16xf32>
      %select_n3A_549 = arith.select %eq3A_546, %broadcast_in_dim3A_548, %select_n3A : vector<16xi1>, vector<16xf32>
      %add3A_550 = arith.constant 0 : i32
      %add3A_551 = arith.addi %add3A_550, %mul3A_522 : i32
      %swap3A_552 = arith.constant 1 : i32
      %swap3A_553 = arith.index_cast %swap3A_552 : i32 to index
      %swap3A_554 = arith.index_cast %add3A_551 : i32 to index
      %swap3A_555 = tpu.vector_load %arg5[%swap3A_553, %swap3A_554] {strides = array<i32>} : memref<4x4096xf32, #tpu.memory_space<vmem>>, vector<1x16xf32>,
      %swap3A_556 = vector.shape_cast %swap3A_555 : vector<1x16xf32> to vector<16xf32>
      %swap3A_557 = vector.shape_cast %select_n3A_549 : vector<16xf32> to vector<1x16xf32>
      tpu.vector_store %arg5[%swap3A_553, %swap3A_554], %swap3A_557 {strides = array<i32>} : memref<4x4096xf32, #tpu.memory_space<vmem>>, vector<1x16xf32>,
      %eq3A_558 = arith.constant 2 : i32
      %eq3A_559 = vector.broadcast %eq3A_558 : i32 to vector<16xi32>
      %eq3A_560 = arith.cmpi eq, %get3A_526, %eq3A_559 : vector<16xi32>
      %jit3A_561 = arith.constant 1.000000e+00 : f32
      %broadcast_in_dim3A_562 = vector.broadcast %jit3A_561 : f32 to vector<16xf32>
      %select_n3A_563 = arith.select %eq3A_560, %broadcast_in_dim3A_562, %select_n3A : vector<16xi1>, vector<16xf32>
      %add3A_564 = arith.constant 0 : i32
      %add3A_565 = arith.addi %add3A_564, %mul3A_522 : i32
      %swap3A_566 = arith.constant 2 : i32
      %swap3A_567 = arith.index_cast %swap3A_566 : i32 to index
      %swap3A_568 = arith.index_cast %add3A_565 : i32 to index
      %swap3A_569 = tpu.vector_load %arg5[%swap3A_567, %swap3A_568] {strides = array<i32>} : memref<4x4096xf32, #tpu.memory_space<vmem>>, vector<1x16xf32>,
      %swap3A_570 = vector.shape_cast %swap3A_569 : vector<1x16xf32> to vector<16xf32>
      %swap3A_571 = vector.shape_cast %select_n3A_563 : vector<16xf32> to vector<1x16xf32>
      tpu.vector_store %arg5[%swap3A_567, %swap3A_568], %swap3A_571 {strides = array<i32>} : memref<4x4096xf32, #tpu.memory_space<vmem>>, vector<1x16xf32>,
      %eq3A_572 = arith.constant 3 : i32
      %eq3A_573 = vector.broadcast %eq3A_572 : i32 to vector<16xi32>
      %eq3A_574 = arith.cmpi eq, %get3A_526, %eq3A_573 : vector<16xi32>
      %jit3A_575 = arith.constant 1.000000e+00 : f32
      %broadcast_in_dim3A_576 = vector.broadcast %jit3A_575 : f32 to vector<16xf32>
      %select_n3A_577 = arith.select %eq3A_574, %broadcast_in_dim3A_576, %select_n3A : vector<16xi1>, vector<16xf32>
      %add3A_578 = arith.constant 0 : i32
      %add3A_579 = arith.addi %add3A_578, %mul3A_522 : i32
      %swap3A_580 = arith.constant 3 : i32
      %swap3A_581 = arith.index_cast %swap3A_580 : i32 to index
      %swap3A_582 = arith.index_cast %add3A_579 : i32 to index
      %swap3A_583 = tpu.vector_load %arg5[%swap3A_581, %swap3A_582] {strides = array<i32>} : memref<4x4096xf32, #tpu.memory_space<vmem>>, vector<1x16xf32>,
      %swap3A_584 = vector.shape_cast %swap3A_583 : vector<1x16xf32> to vector<16xf32>
      %swap3A_585 = vector.shape_cast %select_n3A_577 : vector<16xf32> to vector<1x16xf32>
      tpu.vector_store %arg5[%swap3A_581, %swap3A_582], %swap3A_585 {strides = array<i32>} : memref<4x4096xf32, #tpu.memory_space<vmem>>, vector<1x16xf32>,
    }
    %scan3A_58 = arith.constant 64 : i32
    %add3A_59 = arith.constant 0 : i32
    %add3A_60 = arith.addi %mul3A_2, %add3A_59 : i32
    %dma_start3A_61 = arith.constant 0 : i32
    %dma_start3A_62 = arith.constant 0 : i32
    %dma_start3A_63 = arith.constant 0 : i32
    %dma_start3A_64 = tpu.memref_slice %arg5[%dma_start3A_61, %dma_start3A_63] : memref<4x4096xf32, #tpu.memory_space<vmem>> -> memref<1x1024xf32, #tpu.memory_space<vmem>>
    %dma_start3A_65 = tpu.memref_squeeze %dma_start3A_64 : memref<1x1024xf32, #tpu.memory_space<vmem>> -> memref<1024xf32, #tpu.memory_space<vmem>>
    %dma_start3A_66 = tpu.memref_slice %arg3[%dma_start3A_62, %add3A_60] : memref<4x131072xf32, #tpu.memory_space<hbm>> -> memref<1x1024xf32, #tpu.memory_space<hbm>>
    %dma_start3A_67 = tpu.memref_squeeze %dma_start3A_66 : memref<1x1024xf32, #tpu.memory_space<hbm>> -> memref<1024xf32, #tpu.memory_space<hbm>>
    %dma_start3A_68 = tpu.memref_slice %arg3[%dma_start3A_62, %add3A_60] : memref<4x131072xf32, #tpu.memory_space<hbm>> -> memref<1x1024xf32, #tpu.memory_space<hbm>>
    %dma_start3A_69 = tpu.memref_squeeze %dma_start3A_68 : memref<1x1024xf32, #tpu.memory_space<hbm>> -> memref<1024xf32, #tpu.memory_space<hbm>>
    %dma_start3A_70 = arith.constant 0 : i32
    %dma_start3A_71 = tpu.memref_slice %arg5[%dma_start3A_61, %dma_start3A_70] : memref<4x4096xf32, #tpu.memory_space<vmem>> -> memref<1x1024xf32, #tpu.memory_space<vmem>>
    %dma_start3A_72 = tpu.memref_squeeze %dma_start3A_71 : memref<1x1024xf32, #tpu.memory_space<vmem>> -> memref<1024xf32, #tpu.memory_space<vmem>>
    tpu.enqueue_dma source(%dma_start3A_72 : memref<1024xf32, #tpu.memory_space<vmem>>) target(%dma_start3A_69 : memref<1024xf32, #tpu.memory_space<hbm>>) target_semaphore(%arg7 : memref<!tpu.dma_semaphore, #tpu.memory_space<semaphore_mem>>)
    %add3A_73 = arith.constant 0 : i32
    %add3A_74 = arith.addi %mul3A_2, %add3A_73 : i32
    %dma_start3A_75 = arith.constant 1 : i32
    %dma_start3A_76 = arith.constant 1 : i32
    %dma_start3A_77 = arith.constant 0 : i32
    %dma_start3A_78 = tpu.memref_slice %arg5[%dma_start3A_75, %dma_start3A_77] : memref<4x4096xf32, #tpu.memory_space<vmem>> -> memref<1x1024xf32, #tpu.memory_space<vmem>>
    %dma_start3A_79 = tpu.memref_squeeze %dma_start3A_78 : memref<1x1024xf32, #tpu.memory_space<vmem>> -> memref<1024xf32, #tpu.memory_space<vmem>>
    %dma_start3A_80 = tpu.memref_slice %arg3[%dma_start3A_76, %add3A_74] : memref<4x131072xf32, #tpu.memory_space<hbm>> -> memref<1x1024xf32, #tpu.memory_space<hbm>>
    %dma_start3A_81 = tpu.memref_squeeze %dma_start3A_80 : memref<1x1024xf32, #tpu.memory_space<hbm>> -> memref<1024xf32, #tpu.memory_space<hbm>>
    %dma_start3A_82 = tpu.memref_slice %arg3[%dma_start3A_76, %add3A_74] : memref<4x131072xf32, #tpu.memory_space<hbm>> -> memref<1x1024xf32, #tpu.memory_space<hbm>>
    %dma_start3A_83 = tpu.memref_squeeze %dma_start3A_82 : memref<1x1024xf32, #tpu.memory_space<hbm>> -> memref<1024xf32, #tpu.memory_space<hbm>>
    %dma_start3A_84 = arith.constant 0 : i32
    %dma_start3A_85 = tpu.memref_slice %arg5[%dma_start3A_75, %dma_start3A_84] : memref<4x4096xf32, #tpu.memory_space<vmem>> -> memref<1x1024xf32, #tpu.memory_space<vmem>>
    %dma_start3A_86 = tpu.memref_squeeze %dma_start3A_85 : memref<1x1024xf32, #tpu.memory_space<vmem>> -> memref<1024xf32, #tpu.memory_space<vmem>>
    tpu.enqueue_dma source(%dma_start3A_86 : memref<1024xf32, #tpu.memory_space<vmem>>) target(%dma_start3A_83 : memref<1024xf32, #tpu.memory_space<hbm>>) target_semaphore(%arg7 : memref<!tpu.dma_semaphore, #tpu.memory_space<semaphore_mem>>)
    %add3A_87 = arith.constant 0 : i32
    %add3A_88 = arith.addi %mul3A_2, %add3A_87 : i32
    %dma_start3A_89 = arith.constant 2 : i32
    %dma_start3A_90 = arith.constant 2 : i32
    %dma_start3A_91 = arith.constant 0 : i32
    %dma_start3A_92 = tpu.memref_slice %arg5[%dma_start3A_89, %dma_start3A_91] : memref<4x4096xf32, #tpu.memory_space<vmem>> -> memref<1x1024xf32, #tpu.memory_space<vmem>>
    %dma_start3A_93 = tpu.memref_squeeze %dma_start3A_92 : memref<1x1024xf32, #tpu.memory_space<vmem>> -> memref<1024xf32, #tpu.memory_space<vmem>>
    %dma_start3A_94 = tpu.memref_slice %arg3[%dma_start3A_90, %add3A_88] : memref<4x131072xf32, #tpu.memory_space<hbm>> -> memref<1x1024xf32, #tpu.memory_space<hbm>>
    %dma_start3A_95 = tpu.memref_squeeze %dma_start3A_94 : memref<1x1024xf32, #tpu.memory_space<hbm>> -> memref<1024xf32, #tpu.memory_space<hbm>>
    %dma_start3A_96 = tpu.memref_slice %arg3[%dma_start3A_90, %add3A_88] : memref<4x131072xf32, #tpu.memory_space<hbm>> -> memref<1x1024xf32, #tpu.memory_space<hbm>>
    %dma_start3A_97 = tpu.memref_squeeze %dma_start3A_96 : memref<1x1024xf32, #tpu.memory_space<hbm>> -> memref<1024xf32, #tpu.memory_space<hbm>>
    %dma_start3A_98 = arith.constant 0 : i32
    %dma_start3A_99 = tpu.memref_slice %arg5[%dma_start3A_89, %dma_start3A_98] : memref<4x4096xf32, #tpu.memory_space<vmem>> -> memref<1x1024xf32, #tpu.memory_space<vmem>>
    %dma_start3A_100 = tpu.memref_squeeze %dma_start3A_99 : memref<1x1024xf32, #tpu.memory_space<vmem>> -> memref<1024xf32, #tpu.memory_space<vmem>>
    tpu.enqueue_dma source(%dma_start3A_100 : memref<1024xf32, #tpu.memory_space<vmem>>) target(%dma_start3A_97 : memref<1024xf32, #tpu.memory_space<hbm>>) target_semaphore(%arg7 : memref<!tpu.dma_semaphore, #tpu.memory_space<semaphore_mem>>)
    %add3A_101 = arith.constant 0 : i32
    %add3A_102 = arith.addi %mul3A_2, %add3A_101 : i32
    %dma_start3A_103 = arith.constant 3 : i32
    %dma_start3A_104 = arith.constant 3 : i32
    %dma_start3A_105 = arith.constant 0 : i32
    %dma_start3A_106 = tpu.memref_slice %arg5[%dma_start3A_103, %dma_start3A_105] : memref<4x4096xf32, #tpu.memory_space<vmem>> -> memref<1x1024xf32, #tpu.memory_space<vmem>>
    %dma_start3A_107 = tpu.memref_squeeze %dma_start3A_106 : memref<1x1024xf32, #tpu.memory_space<vmem>> -> memref<1024xf32, #tpu.memory_space<vmem>>
    %dma_start3A_108 = tpu.memref_slice %arg3[%dma_start3A_104, %add3A_102] : memref<4x131072xf32, #tpu.memory_space<hbm>> -> memref<1x1024xf32, #tpu.memory_space<hbm>>
    %dma_start3A_109 = tpu.memref_squeeze %dma_start3A_108 : memref<1x1024xf32, #tpu.memory_space<hbm>> -> memref<1024xf32, #tpu.memory_space<hbm>>
    %dma_start3A_110 = tpu.memref_slice %arg3[%dma_start3A_104, %add3A_102] : memref<4x131072xf32, #tpu.memory_space<hbm>> -> memref<1x1024xf32, #tpu.memory_space<hbm>>
    %dma_start3A_111 = tpu.memref_squeeze %dma_start3A_110 : memref<1x1024xf32, #tpu.memory_space<hbm>> -> memref<1024xf32, #tpu.memory_space<hbm>>
    %dma_start3A_112 = arith.constant 0 : i32
    %dma_start3A_113 = tpu.memref_slice %arg5[%dma_start3A_103, %dma_start3A_112] : memref<4x4096xf32, #tpu.memory_space<vmem>> -> memref<1x1024xf32, #tpu.memory_space<vmem>>
    %dma_start3A_114 = tpu.memref_squeeze %dma_start3A_113 : memref<1x1024xf32, #tpu.memory_space<vmem>> -> memref<1024xf32, #tpu.memory_space<vmem>>
    tpu.enqueue_dma source(%dma_start3A_114 : memref<1024xf32, #tpu.memory_space<vmem>>) target(%dma_start3A_111 : memref<1024xf32, #tpu.memory_space<hbm>>) target_semaphore(%arg7 : memref<!tpu.dma_semaphore, #tpu.memory_space<semaphore_mem>>)
    %dma_wait3A_115 = arith.constant 1 : i32
    %dma_wait3A_116 = arith.constant 0 : i32
    %dma_wait3A_117 = tpu.memref_slice %arg4[%dma_wait3A_115, %dma_wait3A_116] : memref<4x1024xi32, #tpu.memory_space<vmem>> -> memref<1x1024xi32, #tpu.memory_space<vmem>>
    %dma_wait3A_118 = tpu.memref_squeeze %dma_wait3A_117 : memref<1x1024xi32, #tpu.memory_space<vmem>> -> memref<1024xi32, #tpu.memory_space<vmem>>
    %dma_wait3A_119 = tpu.memref_slice %arg2[%add3A_14] : memref<131072xi32, #tpu.memory_space<hbm>> -> memref<1024xi32, #tpu.memory_space<hbm>>
    %dma_wait3A_120 = arith.constant 0 : i32
    %dma_wait3A_121 = tpu.memref_slice %arg4[%dma_wait3A_115, %dma_wait3A_120] : memref<4x1024xi32, #tpu.memory_space<vmem>> -> memref<1x1024xi32, #tpu.memory_space<vmem>>
    %dma_wait3A_122 = tpu.memref_squeeze %dma_wait3A_121 : memref<1x1024xi32, #tpu.memory_space<vmem>> -> memref<1024xi32, #tpu.memory_space<vmem>>
    %dma_wait3A_123 = tpu.memref_slice %arg2[%add3A_14] : memref<131072xi32, #tpu.memory_space<hbm>> -> memref<1024xi32, #tpu.memory_space<hbm>>
    tpu.wait_dma2 semaphore(%arg6 : memref<!tpu.dma_semaphore, #tpu.memory_space<semaphore_mem>>) src(%dma_wait3A_123 : memref<1024xi32, #tpu.memory_space<hbm>>) dst(%dma_wait3A_122 : memref<1024xi32, #tpu.memory_space<vmem>>)
    %scan3A_124 = arith.constant 0 : i32
    %scan3A_125 = arith.constant 0 : i32
    %scan3A_126 = arith.constant 64 : i32
    %scan3A_127 = arith.addi %scan3A_125, %scan3A_126 : i32
    %scan3A_128 = arith.constant 1 : i32
    scf.for %scan3A_520 = %scan3A_125 to %scan3A_127 step %scan3A_128  : i32 {
      %mul3A_521 = arith.constant 16 : i32
      %mul3A_522 = arith.muli %scan3A_520, %mul3A_521 : i32
      %get3A = arith.constant 1 : i32
      %get3A_523 = arith.index_cast %get3A : i32 to index
      %get3A_524 = arith.index_cast %mul3A_522 : i32 to index
      %get3A_525 = tpu.vector_load %arg4[%get3A_523, %get3A_524] {strides = array<i32>} : memref<4x1024xi32, #tpu.memory_space<vmem>>, vector<1x16xi32>,
      %get3A_526 = vector.shape_cast %get3A_525 : vector<1x16xi32> to vector<16xi32>
      %eq3A = arith.constant 4 : i32
      %eq3A_527 = vector.broadcast %eq3A : i32 to vector<16xi32>
      %eq3A_528 = arith.cmpi eq, %get3A_526, %eq3A_527 : vector<16xi32>
      %jit3A = arith.constant 2.500000e-01 : f32
      %jit3A_529 = arith.constant 0.000000e+00 : f32
      %broadcast_in_dim3A = vector.broadcast %jit3A : f32 to vector<16xf32>
      %broadcast_in_dim3A_530 = vector.broadcast %jit3A_529 : f32 to vector<16xf32>
      %select_n3A = arith.select %eq3A_528, %broadcast_in_dim3A, %broadcast_in_dim3A_530 : vector<16xi1>, vector<16xf32>
      %eq3A_531 = arith.constant 0 : i32
      %eq3A_532 = vector.broadcast %eq3A_531 : i32 to vector<16xi32>
      %eq3A_533 = arith.cmpi eq, %get3A_526, %eq3A_532 : vector<16xi32>
      %jit3A_534 = arith.constant 1.000000e+00 : f32
      %broadcast_in_dim3A_535 = vector.broadcast %jit3A_534 : f32 to vector<16xf32>
      %select_n3A_536 = arith.select %eq3A_533, %broadcast_in_dim3A_535, %select_n3A : vector<16xi1>, vector<16xf32>
      %add3A_537 = arith.constant 1024 : i32
      %add3A_538 = arith.addi %add3A_537, %mul3A_522 : i32
      %swap3A = arith.constant 0 : i32
      %swap3A_539 = arith.index_cast %swap3A : i32 to index
      %swap3A_540 = arith.index_cast %add3A_538 : i32 to index
      %swap3A_541 = tpu.vector_load %arg5[%swap3A_539, %swap3A_540] {strides = array<i32>} : memref<4x4096xf32, #tpu.memory_space<vmem>>, vector<1x16xf32>,
      %swap3A_542 = vector.shape_cast %swap3A_541 : vector<1x16xf32> to vector<16xf32>
      %swap3A_543 = vector.shape_cast %select_n3A_536 : vector<16xf32> to vector<1x16xf32>
      tpu.vector_store %arg5[%swap3A_539, %swap3A_540], %swap3A_543 {strides = array<i32>} : memref<4x4096xf32, #tpu.memory_space<vmem>>, vector<1x16xf32>,
      %eq3A_544 = arith.constant 1 : i32
      %eq3A_545 = vector.broadcast %eq3A_544 : i32 to vector<16xi32>
      %eq3A_546 = arith.cmpi eq, %get3A_526, %eq3A_545 : vector<16xi32>
      %jit3A_547 = arith.constant 1.000000e+00 : f32
      %broadcast_in_dim3A_548 = vector.broadcast %jit3A_547 : f32 to vector<16xf32>
      %select_n3A_549 = arith.select %eq3A_546, %broadcast_in_dim3A_548, %select_n3A : vector<16xi1>, vector<16xf32>
      %add3A_550 = arith.constant 1024 : i32
      %add3A_551 = arith.addi %add3A_550, %mul3A_522 : i32
      %swap3A_552 = arith.constant 1 : i32
      %swap3A_553 = arith.index_cast %swap3A_552 : i32 to index
      %swap3A_554 = arith.index_cast %add3A_551 : i32 to index
      %swap3A_555 = tpu.vector_load %arg5[%swap3A_553, %swap3A_554] {strides = array<i32>} : memref<4x4096xf32, #tpu.memory_space<vmem>>, vector<1x16xf32>,
      %swap3A_556 = vector.shape_cast %swap3A_555 : vector<1x16xf32> to vector<16xf32>
      %swap3A_557 = vector.shape_cast %select_n3A_549 : vector<16xf32> to vector<1x16xf32>
      tpu.vector_store %arg5[%swap3A_553, %swap3A_554], %swap3A_557 {strides = array<i32>} : memref<4x4096xf32, #tpu.memory_space<vmem>>, vector<1x16xf32>,
      %eq3A_558 = arith.constant 2 : i32
      %eq3A_559 = vector.broadcast %eq3A_558 : i32 to vector<16xi32>
      %eq3A_560 = arith.cmpi eq, %get3A_526, %eq3A_559 : vector<16xi32>
      %jit3A_561 = arith.constant 1.000000e+00 : f32
      %broadcast_in_dim3A_562 = vector.broadcast %jit3A_561 : f32 to vector<16xf32>
      %select_n3A_563 = arith.select %eq3A_560, %broadcast_in_dim3A_562, %select_n3A : vector<16xi1>, vector<16xf32>
      %add3A_564 = arith.constant 1024 : i32
      %add3A_565 = arith.addi %add3A_564, %mul3A_522 : i32
      %swap3A_566 = arith.constant 2 : i32
      %swap3A_567 = arith.index_cast %swap3A_566 : i32 to index
      %swap3A_568 = arith.index_cast %add3A_565 : i32 to index
      %swap3A_569 = tpu.vector_load %arg5[%swap3A_567, %swap3A_568] {strides = array<i32>} : memref<4x4096xf32, #tpu.memory_space<vmem>>, vector<1x16xf32>,
      %swap3A_570 = vector.shape_cast %swap3A_569 : vector<1x16xf32> to vector<16xf32>
      %swap3A_571 = vector.shape_cast %select_n3A_563 : vector<16xf32> to vector<1x16xf32>
      tpu.vector_store %arg5[%swap3A_567, %swap3A_568], %swap3A_571 {strides = array<i32>} : memref<4x4096xf32, #tpu.memory_space<vmem>>, vector<1x16xf32>,
      %eq3A_572 = arith.constant 3 : i32
      %eq3A_573 = vector.broadcast %eq3A_572 : i32 to vector<16xi32>
      %eq3A_574 = arith.cmpi eq, %get3A_526, %eq3A_573 : vector<16xi32>
      %jit3A_575 = arith.constant 1.000000e+00 : f32
      %broadcast_in_dim3A_576 = vector.broadcast %jit3A_575 : f32 to vector<16xf32>
      %select_n3A_577 = arith.select %eq3A_574, %broadcast_in_dim3A_576, %select_n3A : vector<16xi1>, vector<16xf32>
      %add3A_578 = arith.constant 1024 : i32
      %add3A_579 = arith.addi %add3A_578, %mul3A_522 : i32
      %swap3A_580 = arith.constant 3 : i32
      %swap3A_581 = arith.index_cast %swap3A_580 : i32 to index
      %swap3A_582 = arith.index_cast %add3A_579 : i32 to index
      %swap3A_583 = tpu.vector_load %arg5[%swap3A_581, %swap3A_582] {strides = array<i32>} : memref<4x4096xf32, #tpu.memory_space<vmem>>, vector<1x16xf32>,
      %swap3A_584 = vector.shape_cast %swap3A_583 : vector<1x16xf32> to vector<16xf32>
      %swap3A_585 = vector.shape_cast %select_n3A_577 : vector<16xf32> to vector<1x16xf32>
      tpu.vector_store %arg5[%swap3A_581, %swap3A_582], %swap3A_585 {strides = array<i32>} : memref<4x4096xf32, #tpu.memory_space<vmem>>, vector<1x16xf32>,
    }
    %scan3A_129 = arith.constant 64 : i32
    %add3A_130 = arith.constant 1024 : i32
    %add3A_131 = arith.addi %mul3A_2, %add3A_130 : i32
    %dma_start3A_132 = arith.constant 0 : i32
    %dma_start3A_133 = arith.constant 0 : i32
    %dma_start3A_134 = arith.constant 1024 : i32
    %dma_start3A_135 = tpu.memref_slice %arg5[%dma_start3A_132, %dma_start3A_134] : memref<4x4096xf32, #tpu.memory_space<vmem>> -> memref<1x1024xf32, #tpu.memory_space<vmem>>
    %dma_start3A_136 = tpu.memref_squeeze %dma_start3A_135 : memref<1x1024xf32, #tpu.memory_space<vmem>> -> memref<1024xf32, #tpu.memory_space<vmem>>
    %dma_start3A_137 = tpu.memref_slice %arg3[%dma_start3A_133, %add3A_131] : memref<4x131072xf32, #tpu.memory_space<hbm>> -> memref<1x1024xf32, #tpu.memory_space<hbm>>
    %dma_start3A_138 = tpu.memref_squeeze %dma_start3A_137 : memref<1x1024xf32, #tpu.memory_space<hbm>> -> memref<1024xf32, #tpu.memory_space<hbm>>
    %dma_start3A_139 = tpu.memref_slice %arg3[%dma_start3A_133, %add3A_131] : memref<4x131072xf32, #tpu.memory_space<hbm>> -> memref<1x1024xf32, #tpu.memory_space<hbm>>
    %dma_start3A_140 = tpu.memref_squeeze %dma_start3A_139 : memref<1x1024xf32, #tpu.memory_space<hbm>> -> memref<1024xf32, #tpu.memory_space<hbm>>
    %dma_start3A_141 = arith.constant 1024 : i32
    %dma_start3A_142 = tpu.memref_slice %arg5[%dma_start3A_132, %dma_start3A_141] : memref<4x4096xf32, #tpu.memory_space<vmem>> -> memref<1x1024xf32, #tpu.memory_space<vmem>>
    %dma_start3A_143 = tpu.memref_squeeze %dma_start3A_142 : memref<1x1024xf32, #tpu.memory_space<vmem>> -> memref<1024xf32, #tpu.memory_space<vmem>>
    tpu.enqueue_dma source(%dma_start3A_143 : memref<1024xf32, #tpu.memory_space<vmem>>) target(%dma_start3A_140 : memref<1024xf32, #tpu.memory_space<hbm>>) target_semaphore(%arg7 : memref<!tpu.dma_semaphore, #tpu.memory_space<semaphore_mem>>)
    %add3A_144 = arith.constant 1024 : i32
    %add3A_145 = arith.addi %mul3A_2, %add3A_144 : i32
    %dma_start3A_146 = arith.constant 1 : i32
    %dma_start3A_147 = arith.constant 1 : i32
    %dma_start3A_148 = arith.constant 1024 : i32
    %dma_start3A_149 = tpu.memref_slice %arg5[%dma_start3A_146, %dma_start3A_148] : memref<4x4096xf32, #tpu.memory_space<vmem>> -> memref<1x1024xf32, #tpu.memory_space<vmem>>
    %dma_start3A_150 = tpu.memref_squeeze %dma_start3A_149 : memref<1x1024xf32, #tpu.memory_space<vmem>> -> memref<1024xf32, #tpu.memory_space<vmem>>
    %dma_start3A_151 = tpu.memref_slice %arg3[%dma_start3A_147, %add3A_145] : memref<4x131072xf32, #tpu.memory_space<hbm>> -> memref<1x1024xf32, #tpu.memory_space<hbm>>
    %dma_start3A_152 = tpu.memref_squeeze %dma_start3A_151 : memref<1x1024xf32, #tpu.memory_space<hbm>> -> memref<1024xf32, #tpu.memory_space<hbm>>
    %dma_start3A_153 = tpu.memref_slice %arg3[%dma_start3A_147, %add3A_145] : memref<4x131072xf32, #tpu.memory_space<hbm>> -> memref<1x1024xf32, #tpu.memory_space<hbm>>
    %dma_start3A_154 = tpu.memref_squeeze %dma_start3A_153 : memref<1x1024xf32, #tpu.memory_space<hbm>> -> memref<1024xf32, #tpu.memory_space<hbm>>
    %dma_start3A_155 = arith.constant 1024 : i32
    %dma_start3A_156 = tpu.memref_slice %arg5[%dma_start3A_146, %dma_start3A_155] : memref<4x4096xf32, #tpu.memory_space<vmem>> -> memref<1x1024xf32, #tpu.memory_space<vmem>>
    %dma_start3A_157 = tpu.memref_squeeze %dma_start3A_156 : memref<1x1024xf32, #tpu.memory_space<vmem>> -> memref<1024xf32, #tpu.memory_space<vmem>>
    tpu.enqueue_dma source(%dma_start3A_157 : memref<1024xf32, #tpu.memory_space<vmem>>) target(%dma_start3A_154 : memref<1024xf32, #tpu.memory_space<hbm>>) target_semaphore(%arg7 : memref<!tpu.dma_semaphore, #tpu.memory_space<semaphore_mem>>)
    %add3A_158 = arith.constant 1024 : i32
    %add3A_159 = arith.addi %mul3A_2, %add3A_158 : i32
    %dma_start3A_160 = arith.constant 2 : i32
    %dma_start3A_161 = arith.constant 2 : i32
    %dma_start3A_162 = arith.constant 1024 : i32
    %dma_start3A_163 = tpu.memref_slice %arg5[%dma_start3A_160, %dma_start3A_162] : memref<4x4096xf32, #tpu.memory_space<vmem>> -> memref<1x1024xf32, #tpu.memory_space<vmem>>
    %dma_start3A_164 = tpu.memref_squeeze %dma_start3A_163 : memref<1x1024xf32, #tpu.memory_space<vmem>> -> memref<1024xf32, #tpu.memory_space<vmem>>
    %dma_start3A_165 = tpu.memref_slice %arg3[%dma_start3A_161, %add3A_159] : memref<4x131072xf32, #tpu.memory_space<hbm>> -> memref<1x1024xf32, #tpu.memory_space<hbm>>
    %dma_start3A_166 = tpu.memref_squeeze %dma_start3A_165 : memref<1x1024xf32, #tpu.memory_space<hbm>> -> memref<1024xf32, #tpu.memory_space<hbm>>
    %dma_start3A_167 = tpu.memref_slice %arg3[%dma_start3A_161, %add3A_159] : memref<4x131072xf32, #tpu.memory_space<hbm>> -> memref<1x1024xf32, #tpu.memory_space<hbm>>
    %dma_start3A_168 = tpu.memref_squeeze %dma_start3A_167 : memref<1x1024xf32, #tpu.memory_space<hbm>> -> memref<1024xf32, #tpu.memory_space<hbm>>
    %dma_start3A_169 = arith.constant 1024 : i32
    %dma_start3A_170 = tpu.memref_slice %arg5[%dma_start3A_160, %dma_start3A_169] : memref<4x4096xf32, #tpu.memory_space<vmem>> -> memref<1x1024xf32, #tpu.memory_space<vmem>>
    %dma_start3A_171 = tpu.memref_squeeze %dma_start3A_170 : memref<1x1024xf32, #tpu.memory_space<vmem>> -> memref<1024xf32, #tpu.memory_space<vmem>>
    tpu.enqueue_dma source(%dma_start3A_171 : memref<1024xf32, #tpu.memory_space<vmem>>) target(%dma_start3A_168 : memref<1024xf32, #tpu.memory_space<hbm>>) target_semaphore(%arg7 : memref<!tpu.dma_semaphore, #tpu.memory_space<semaphore_mem>>)
    %add3A_172 = arith.constant 1024 : i32
    %add3A_173 = arith.addi %mul3A_2, %add3A_172 : i32
    %dma_start3A_174 = arith.constant 3 : i32
    %dma_start3A_175 = arith.constant 3 : i32
    %dma_start3A_176 = arith.constant 1024 : i32
    %dma_start3A_177 = tpu.memref_slice %arg5[%dma_start3A_174, %dma_start3A_176] : memref<4x4096xf32, #tpu.memory_space<vmem>> -> memref<1x1024xf32, #tpu.memory_space<vmem>>
    %dma_start3A_178 = tpu.memref_squeeze %dma_start3A_177 : memref<1x1024xf32, #tpu.memory_space<vmem>> -> memref<1024xf32, #tpu.memory_space<vmem>>
    %dma_start3A_179 = tpu.memref_slice %arg3[%dma_start3A_175, %add3A_173] : memref<4x131072xf32, #tpu.memory_space<hbm>> -> memref<1x1024xf32, #tpu.memory_space<hbm>>
    %dma_start3A_180 = tpu.memref_squeeze %dma_start3A_179 : memref<1x1024xf32, #tpu.memory_space<hbm>> -> memref<1024xf32, #tpu.memory_space<hbm>>
    %dma_start3A_181 = tpu.memref_slice %arg3[%dma_start3A_175, %add3A_173] : memref<4x131072xf32, #tpu.memory_space<hbm>> -> memref<1x1024xf32, #tpu.memory_space<hbm>>
    %dma_start3A_182 = tpu.memref_squeeze %dma_start3A_181 : memref<1x1024xf32, #tpu.memory_space<hbm>> -> memref<1024xf32, #tpu.memory_space<hbm>>
    %dma_start3A_183 = arith.constant 1024 : i32
    %dma_start3A_184 = tpu.memref_slice %arg5[%dma_start3A_174, %dma_start3A_183] : memref<4x4096xf32, #tpu.memory_space<vmem>> -> memref<1x1024xf32, #tpu.memory_space<vmem>>
    %dma_start3A_185 = tpu.memref_squeeze %dma_start3A_184 : memref<1x1024xf32, #tpu.memory_space<vmem>> -> memref<1024xf32, #tpu.memory_space<vmem>>
    tpu.enqueue_dma source(%dma_start3A_185 : memref<1024xf32, #tpu.memory_space<vmem>>) target(%dma_start3A_182 : memref<1024xf32, #tpu.memory_space<hbm>>) target_semaphore(%arg7 : memref<!tpu.dma_semaphore, #tpu.memory_space<semaphore_mem>>)
    %dma_wait3A_186 = arith.constant 2 : i32
    %dma_wait3A_187 = arith.constant 0 : i32
    %dma_wait3A_188 = tpu.memref_slice %arg4[%dma_wait3A_186, %dma_wait3A_187] : memref<4x1024xi32, #tpu.memory_space<vmem>> -> memref<1x1024xi32, #tpu.memory_space<vmem>>
    %dma_wait3A_189 = tpu.memref_squeeze %dma_wait3A_188 : memref<1x1024xi32, #tpu.memory_space<vmem>> -> memref<1024xi32, #tpu.memory_space<vmem>>
    %dma_wait3A_190 = tpu.memref_slice %arg2[%add3A_25] : memref<131072xi32, #tpu.memory_space<hbm>> -> memref<1024xi32, #tpu.memory_space<hbm>>
    %dma_wait3A_191 = arith.constant 0 : i32
    %dma_wait3A_192 = tpu.memref_slice %arg4[%dma_wait3A_186, %dma_wait3A_191] : memref<4x1024xi32, #tpu.memory_space<vmem>> -> memref<1x1024xi32, #tpu.memory_space<vmem>>
    %dma_wait3A_193 = tpu.memref_squeeze %dma_wait3A_192 : memref<1x1024xi32, #tpu.memory_space<vmem>> -> memref<1024xi32, #tpu.memory_space<vmem>>
    %dma_wait3A_194 = tpu.memref_slice %arg2[%add3A_25] : memref<131072xi32, #tpu.memory_space<hbm>> -> memref<1024xi32, #tpu.memory_space<hbm>>
    tpu.wait_dma2 semaphore(%arg6 : memref<!tpu.dma_semaphore, #tpu.memory_space<semaphore_mem>>) src(%dma_wait3A_194 : memref<1024xi32, #tpu.memory_space<hbm>>) dst(%dma_wait3A_193 : memref<1024xi32, #tpu.memory_space<vmem>>)
    %scan3A_195 = arith.constant 0 : i32
    %scan3A_196 = arith.constant 0 : i32
    %scan3A_197 = arith.constant 64 : i32
    %scan3A_198 = arith.addi %scan3A_196, %scan3A_197 : i32
    %scan3A_199 = arith.constant 1 : i32
    scf.for %scan3A_520 = %scan3A_196 to %scan3A_198 step %scan3A_199  : i32 {
      %mul3A_521 = arith.constant 16 : i32
      %mul3A_522 = arith.muli %scan3A_520, %mul3A_521 : i32
      %get3A = arith.constant 2 : i32
      %get3A_523 = arith.index_cast %get3A : i32 to index
      %get3A_524 = arith.index_cast %mul3A_522 : i32 to index
      %get3A_525 = tpu.vector_load %arg4[%get3A_523, %get3A_524] {strides = array<i32>} : memref<4x1024xi32, #tpu.memory_space<vmem>>, vector<1x16xi32>,
      %get3A_526 = vector.shape_cast %get3A_525 : vector<1x16xi32> to vector<16xi32>
      %eq3A = arith.constant 4 : i32
      %eq3A_527 = vector.broadcast %eq3A : i32 to vector<16xi32>
      %eq3A_528 = arith.cmpi eq, %get3A_526, %eq3A_527 : vector<16xi32>
      %jit3A = arith.constant 2.500000e-01 : f32
      %jit3A_529 = arith.constant 0.000000e+00 : f32
      %broadcast_in_dim3A = vector.broadcast %jit3A : f32 to vector<16xf32>
      %broadcast_in_dim3A_530 = vector.broadcast %jit3A_529 : f32 to vector<16xf32>
      %select_n3A = arith.select %eq3A_528, %broadcast_in_dim3A, %broadcast_in_dim3A_530 : vector<16xi1>, vector<16xf32>
      %eq3A_531 = arith.constant 0 : i32
      %eq3A_532 = vector.broadcast %eq3A_531 : i32 to vector<16xi32>
      %eq3A_533 = arith.cmpi eq, %get3A_526, %eq3A_532 : vector<16xi32>
      %jit3A_534 = arith.constant 1.000000e+00 : f32
      %broadcast_in_dim3A_535 = vector.broadcast %jit3A_534 : f32 to vector<16xf32>
      %select_n3A_536 = arith.select %eq3A_533, %broadcast_in_dim3A_535, %select_n3A : vector<16xi1>, vector<16xf32>
      %add3A_537 = arith.constant 2048 : i32
      %add3A_538 = arith.addi %add3A_537, %mul3A_522 : i32
      %swap3A = arith.constant 0 : i32
      %swap3A_539 = arith.index_cast %swap3A : i32 to index
      %swap3A_540 = arith.index_cast %add3A_538 : i32 to index
      %swap3A_541 = tpu.vector_load %arg5[%swap3A_539, %swap3A_540] {strides = array<i32>} : memref<4x4096xf32, #tpu.memory_space<vmem>>, vector<1x16xf32>,
      %swap3A_542 = vector.shape_cast %swap3A_541 : vector<1x16xf32> to vector<16xf32>
      %swap3A_543 = vector.shape_cast %select_n3A_536 : vector<16xf32> to vector<1x16xf32>
      tpu.vector_store %arg5[%swap3A_539, %swap3A_540], %swap3A_543 {strides = array<i32>} : memref<4x4096xf32, #tpu.memory_space<vmem>>, vector<1x16xf32>,
      %eq3A_544 = arith.constant 1 : i32
      %eq3A_545 = vector.broadcast %eq3A_544 : i32 to vector<16xi32>
      %eq3A_546 = arith.cmpi eq, %get3A_526, %eq3A_545 : vector<16xi32>
      %jit3A_547 = arith.constant 1.000000e+00 : f32
      %broadcast_in_dim3A_548 = vector.broadcast %jit3A_547 : f32 to vector<16xf32>
      %select_n3A_549 = arith.select %eq3A_546, %broadcast_in_dim3A_548, %select_n3A : vector<16xi1>, vector<16xf32>
      %add3A_550 = arith.constant 2048 : i32
      %add3A_551 = arith.addi %add3A_550, %mul3A_522 : i32
      %swap3A_552 = arith.constant 1 : i32
      %swap3A_553 = arith.index_cast %swap3A_552 : i32 to index
      %swap3A_554 = arith.index_cast %add3A_551 : i32 to index
      %swap3A_555 = tpu.vector_load %arg5[%swap3A_553, %swap3A_554] {strides = array<i32>} : memref<4x4096xf32, #tpu.memory_space<vmem>>, vector<1x16xf32>,
      %swap3A_556 = vector.shape_cast %swap3A_555 : vector<1x16xf32> to vector<16xf32>
      %swap3A_557 = vector.shape_cast %select_n3A_549 : vector<16xf32> to vector<1x16xf32>
      tpu.vector_store %arg5[%swap3A_553, %swap3A_554], %swap3A_557 {strides = array<i32>} : memref<4x4096xf32, #tpu.memory_space<vmem>>, vector<1x16xf32>,
      %eq3A_558 = arith.constant 2 : i32
      %eq3A_559 = vector.broadcast %eq3A_558 : i32 to vector<16xi32>
      %eq3A_560 = arith.cmpi eq, %get3A_526, %eq3A_559 : vector<16xi32>
      %jit3A_561 = arith.constant 1.000000e+00 : f32
      %broadcast_in_dim3A_562 = vector.broadcast %jit3A_561 : f32 to vector<16xf32>
      %select_n3A_563 = arith.select %eq3A_560, %broadcast_in_dim3A_562, %select_n3A : vector<16xi1>, vector<16xf32>
      %add3A_564 = arith.constant 2048 : i32
      %add3A_565 = arith.addi %add3A_564, %mul3A_522 : i32
      %swap3A_566 = arith.constant 2 : i32
      %swap3A_567 = arith.index_cast %swap3A_566 : i32 to index
      %swap3A_568 = arith.index_cast %add3A_565 : i32 to index
      %swap3A_569 = tpu.vector_load %arg5[%swap3A_567, %swap3A_568] {strides = array<i32>} : memref<4x4096xf32, #tpu.memory_space<vmem>>, vector<1x16xf32>,
      %swap3A_570 = vector.shape_cast %swap3A_569 : vector<1x16xf32> to vector<16xf32>
      %swap3A_571 = vector.shape_cast %select_n3A_563 : vector<16xf32> to vector<1x16xf32>
      tpu.vector_store %arg5[%swap3A_567, %swap3A_568], %swap3A_571 {strides = array<i32>} : memref<4x4096xf32, #tpu.memory_space<vmem>>, vector<1x16xf32>,
      %eq3A_572 = arith.constant 3 : i32
      %eq3A_573 = vector.broadcast %eq3A_572 : i32 to vector<16xi32>
      %eq3A_574 = arith.cmpi eq, %get3A_526, %eq3A_573 : vector<16xi32>
      %jit3A_575 = arith.constant 1.000000e+00 : f32
      %broadcast_in_dim3A_576 = vector.broadcast %jit3A_575 : f32 to vector<16xf32>
      %select_n3A_577 = arith.select %eq3A_574, %broadcast_in_dim3A_576, %select_n3A : vector<16xi1>, vector<16xf32>
      %add3A_578 = arith.constant 2048 : i32
      %add3A_579 = arith.addi %add3A_578, %mul3A_522 : i32
      %swap3A_580 = arith.constant 3 : i32
      %swap3A_581 = arith.index_cast %swap3A_580 : i32 to index
      %swap3A_582 = arith.index_cast %add3A_579 : i32 to index
      %swap3A_583 = tpu.vector_load %arg5[%swap3A_581, %swap3A_582] {strides = array<i32>} : memref<4x4096xf32, #tpu.memory_space<vmem>>, vector<1x16xf32>,
      %swap3A_584 = vector.shape_cast %swap3A_583 : vector<1x16xf32> to vector<16xf32>
      %swap3A_585 = vector.shape_cast %select_n3A_577 : vector<16xf32> to vector<1x16xf32>
      tpu.vector_store %arg5[%swap3A_581, %swap3A_582], %swap3A_585 {strides = array<i32>} : memref<4x4096xf32, #tpu.memory_space<vmem>>, vector<1x16xf32>,
    }
    %scan3A_200 = arith.constant 64 : i32
    %add3A_201 = arith.constant 2048 : i32
    %add3A_202 = arith.addi %mul3A_2, %add3A_201 : i32
    %dma_start3A_203 = arith.constant 0 : i32
    %dma_start3A_204 = arith.constant 0 : i32
    %dma_start3A_205 = arith.constant 2048 : i32
    %dma_start3A_206 = tpu.memref_slice %arg5[%dma_start3A_203, %dma_start3A_205] : memref<4x4096xf32, #tpu.memory_space<vmem>> -> memref<1x1024xf32, #tpu.memory_space<vmem>>
    %dma_start3A_207 = tpu.memref_squeeze %dma_start3A_206 : memref<1x1024xf32, #tpu.memory_space<vmem>> -> memref<1024xf32, #tpu.memory_space<vmem>>
    %dma_start3A_208 = tpu.memref_slice %arg3[%dma_start3A_204, %add3A_202] : memref<4x131072xf32, #tpu.memory_space<hbm>> -> memref<1x1024xf32, #tpu.memory_space<hbm>>
    %dma_start3A_209 = tpu.memref_squeeze %dma_start3A_208 : memref<1x1024xf32, #tpu.memory_space<hbm>> -> memref<1024xf32, #tpu.memory_space<hbm>>
    %dma_start3A_210 = tpu.memref_slice %arg3[%dma_start3A_204, %add3A_202] : memref<4x131072xf32, #tpu.memory_space<hbm>> -> memref<1x1024xf32, #tpu.memory_space<hbm>>
    %dma_start3A_211 = tpu.memref_squeeze %dma_start3A_210 : memref<1x1024xf32, #tpu.memory_space<hbm>> -> memref<1024xf32, #tpu.memory_space<hbm>>
    %dma_start3A_212 = arith.constant 2048 : i32
    %dma_start3A_213 = tpu.memref_slice %arg5[%dma_start3A_203, %dma_start3A_212] : memref<4x4096xf32, #tpu.memory_space<vmem>> -> memref<1x1024xf32, #tpu.memory_space<vmem>>
    %dma_start3A_214 = tpu.memref_squeeze %dma_start3A_213 : memref<1x1024xf32, #tpu.memory_space<vmem>> -> memref<1024xf32, #tpu.memory_space<vmem>>
    tpu.enqueue_dma source(%dma_start3A_214 : memref<1024xf32, #tpu.memory_space<vmem>>) target(%dma_start3A_211 : memref<1024xf32, #tpu.memory_space<hbm>>) target_semaphore(%arg7 : memref<!tpu.dma_semaphore, #tpu.memory_space<semaphore_mem>>)
    %add3A_215 = arith.constant 2048 : i32
    %add3A_216 = arith.addi %mul3A_2, %add3A_215 : i32
    %dma_start3A_217 = arith.constant 1 : i32
    %dma_start3A_218 = arith.constant 1 : i32
    %dma_start3A_219 = arith.constant 2048 : i32
    %dma_start3A_220 = tpu.memref_slice %arg5[%dma_start3A_217, %dma_start3A_219] : memref<4x4096xf32, #tpu.memory_space<vmem>> -> memref<1x1024xf32, #tpu.memory_space<vmem>>
    %dma_start3A_221 = tpu.memref_squeeze %dma_start3A_220 : memref<1x1024xf32, #tpu.memory_space<vmem>> -> memref<1024xf32, #tpu.memory_space<vmem>>
    %dma_start3A_222 = tpu.memref_slice %arg3[%dma_start3A_218, %add3A_216] : memref<4x131072xf32, #tpu.memory_space<hbm>> -> memref<1x1024xf32, #tpu.memory_space<hbm>>
    %dma_start3A_223 = tpu.memref_squeeze %dma_start3A_222 : memref<1x1024xf32, #tpu.memory_space<hbm>> -> memref<1024xf32, #tpu.memory_space<hbm>>
    %dma_start3A_224 = tpu.memref_slice %arg3[%dma_start3A_218, %add3A_216] : memref<4x131072xf32, #tpu.memory_space<hbm>> -> memref<1x1024xf32, #tpu.memory_space<hbm>>
    %dma_start3A_225 = tpu.memref_squeeze %dma_start3A_224 : memref<1x1024xf32, #tpu.memory_space<hbm>> -> memref<1024xf32, #tpu.memory_space<hbm>>
    %dma_start3A_226 = arith.constant 2048 : i32
    %dma_start3A_227 = tpu.memref_slice %arg5[%dma_start3A_217, %dma_start3A_226] : memref<4x4096xf32, #tpu.memory_space<vmem>> -> memref<1x1024xf32, #tpu.memory_space<vmem>>
    %dma_start3A_228 = tpu.memref_squeeze %dma_start3A_227 : memref<1x1024xf32, #tpu.memory_space<vmem>> -> memref<1024xf32, #tpu.memory_space<vmem>>
    tpu.enqueue_dma source(%dma_start3A_228 : memref<1024xf32, #tpu.memory_space<vmem>>) target(%dma_start3A_225 : memref<1024xf32, #tpu.memory_space<hbm>>) target_semaphore(%arg7 : memref<!tpu.dma_semaphore, #tpu.memory_space<semaphore_mem>>)
    %add3A_229 = arith.constant 2048 : i32
    %add3A_230 = arith.addi %mul3A_2, %add3A_229 : i32
    %dma_start3A_231 = arith.constant 2 : i32
    %dma_start3A_232 = arith.constant 2 : i32
    %dma_start3A_233 = arith.constant 2048 : i32
    %dma_start3A_234 = tpu.memref_slice %arg5[%dma_start3A_231, %dma_start3A_233] : memref<4x4096xf32, #tpu.memory_space<vmem>> -> memref<1x1024xf32, #tpu.memory_space<vmem>>
    %dma_start3A_235 = tpu.memref_squeeze %dma_start3A_234 : memref<1x1024xf32, #tpu.memory_space<vmem>> -> memref<1024xf32, #tpu.memory_space<vmem>>
    %dma_start3A_236 = tpu.memref_slice %arg3[%dma_start3A_232, %add3A_230] : memref<4x131072xf32, #tpu.memory_space<hbm>> -> memref<1x1024xf32, #tpu.memory_space<hbm>>
    %dma_start3A_237 = tpu.memref_squeeze %dma_start3A_236 : memref<1x1024xf32, #tpu.memory_space<hbm>> -> memref<1024xf32, #tpu.memory_space<hbm>>
    %dma_start3A_238 = tpu.memref_slice %arg3[%dma_start3A_232, %add3A_230] : memref<4x131072xf32, #tpu.memory_space<hbm>> -> memref<1x1024xf32, #tpu.memory_space<hbm>>
    %dma_start3A_239 = tpu.memref_squeeze %dma_start3A_238 : memref<1x1024xf32, #tpu.memory_space<hbm>> -> memref<1024xf32, #tpu.memory_space<hbm>>
    %dma_start3A_240 = arith.constant 2048 : i32
    %dma_start3A_241 = tpu.memref_slice %arg5[%dma_start3A_231, %dma_start3A_240] : memref<4x4096xf32, #tpu.memory_space<vmem>> -> memref<1x1024xf32, #tpu.memory_space<vmem>>
    %dma_start3A_242 = tpu.memref_squeeze %dma_start3A_241 : memref<1x1024xf32, #tpu.memory_space<vmem>> -> memref<1024xf32, #tpu.memory_space<vmem>>
    tpu.enqueue_dma source(%dma_start3A_242 : memref<1024xf32, #tpu.memory_space<vmem>>) target(%dma_start3A_239 : memref<1024xf32, #tpu.memory_space<hbm>>) target_semaphore(%arg7 : memref<!tpu.dma_semaphore, #tpu.memory_space<semaphore_mem>>)
    %add3A_243 = arith.constant 2048 : i32
    %add3A_244 = arith.addi %mul3A_2, %add3A_243 : i32
    %dma_start3A_245 = arith.constant 3 : i32
    %dma_start3A_246 = arith.constant 3 : i32
    %dma_start3A_247 = arith.constant 2048 : i32
    %dma_start3A_248 = tpu.memref_slice %arg5[%dma_start3A_245, %dma_start3A_247] : memref<4x4096xf32, #tpu.memory_space<vmem>> -> memref<1x1024xf32, #tpu.memory_space<vmem>>
    %dma_start3A_249 = tpu.memref_squeeze %dma_start3A_248 : memref<1x1024xf32, #tpu.memory_space<vmem>> -> memref<1024xf32, #tpu.memory_space<vmem>>
    %dma_start3A_250 = tpu.memref_slice %arg3[%dma_start3A_246, %add3A_244] : memref<4x131072xf32, #tpu.memory_space<hbm>> -> memref<1x1024xf32, #tpu.memory_space<hbm>>
    %dma_start3A_251 = tpu.memref_squeeze %dma_start3A_250 : memref<1x1024xf32, #tpu.memory_space<hbm>> -> memref<1024xf32, #tpu.memory_space<hbm>>
    %dma_start3A_252 = tpu.memref_slice %arg3[%dma_start3A_246, %add3A_244] : memref<4x131072xf32, #tpu.memory_space<hbm>> -> memref<1x1024xf32, #tpu.memory_space<hbm>>
    %dma_start3A_253 = tpu.memref_squeeze %dma_start3A_252 : memref<1x1024xf32, #tpu.memory_space<hbm>> -> memref<1024xf32, #tpu.memory_space<hbm>>
    %dma_start3A_254 = arith.constant 2048 : i32
    %dma_start3A_255 = tpu.memref_slice %arg5[%dma_start3A_245, %dma_start3A_254] : memref<4x4096xf32, #tpu.memory_space<vmem>> -> memref<1x1024xf32, #tpu.memory_space<vmem>>
    %dma_start3A_256 = tpu.memref_squeeze %dma_start3A_255 : memref<1x1024xf32, #tpu.memory_space<vmem>> -> memref<1024xf32, #tpu.memory_space<vmem>>
    tpu.enqueue_dma source(%dma_start3A_256 : memref<1024xf32, #tpu.memory_space<vmem>>) target(%dma_start3A_253 : memref<1024xf32, #tpu.memory_space<hbm>>) target_semaphore(%arg7 : memref<!tpu.dma_semaphore, #tpu.memory_space<semaphore_mem>>)
    %dma_wait3A_257 = arith.constant 3 : i32
    %dma_wait3A_258 = arith.constant 0 : i32
    %dma_wait3A_259 = tpu.memref_slice %arg4[%dma_wait3A_257, %dma_wait3A_258] : memref<4x1024xi32, #tpu.memory_space<vmem>> -> memref<1x1024xi32, #tpu.memory_space<vmem>>
    %dma_wait3A_260 = tpu.memref_squeeze %dma_wait3A_259 : memref<1x1024xi32, #tpu.memory_space<vmem>> -> memref<1024xi32, #tpu.memory_space<vmem>>
    %dma_wait3A_261 = tpu.memref_slice %arg2[%add3A_36] : memref<131072xi32, #tpu.memory_space<hbm>> -> memref<1024xi32, #tpu.memory_space<hbm>>
    %dma_wait3A_262 = arith.constant 0 : i32
    %dma_wait3A_263 = tpu.memref_slice %arg4[%dma_wait3A_257, %dma_wait3A_262] : memref<4x1024xi32, #tpu.memory_space<vmem>> -> memref<1x1024xi32, #tpu.memory_space<vmem>>
    %dma_wait3A_264 = tpu.memref_squeeze %dma_wait3A_263 : memref<1x1024xi32, #tpu.memory_space<vmem>> -> memref<1024xi32, #tpu.memory_space<vmem>>
    %dma_wait3A_265 = tpu.memref_slice %arg2[%add3A_36] : memref<131072xi32, #tpu.memory_space<hbm>> -> memref<1024xi32, #tpu.memory_space<hbm>>
    tpu.wait_dma2 semaphore(%arg6 : memref<!tpu.dma_semaphore, #tpu.memory_space<semaphore_mem>>) src(%dma_wait3A_265 : memref<1024xi32, #tpu.memory_space<hbm>>) dst(%dma_wait3A_264 : memref<1024xi32, #tpu.memory_space<vmem>>)
    %scan3A_266 = arith.constant 0 : i32
    %scan3A_267 = arith.constant 0 : i32
    %scan3A_268 = arith.constant 64 : i32
    %scan3A_269 = arith.addi %scan3A_267, %scan3A_268 : i32
    %scan3A_270 = arith.constant 1 : i32
    scf.for %scan3A_520 = %scan3A_267 to %scan3A_269 step %scan3A_270  : i32 {
      %mul3A_521 = arith.constant 16 : i32
      %mul3A_522 = arith.muli %scan3A_520, %mul3A_521 : i32
      %get3A = arith.constant 3 : i32
      %get3A_523 = arith.index_cast %get3A : i32 to index
      %get3A_524 = arith.index_cast %mul3A_522 : i32 to index
      %get3A_525 = tpu.vector_load %arg4[%get3A_523, %get3A_524] {strides = array<i32>} : memref<4x1024xi32, #tpu.memory_space<vmem>>, vector<1x16xi32>,
      %get3A_526 = vector.shape_cast %get3A_525 : vector<1x16xi32> to vector<16xi32>
      %eq3A = arith.constant 4 : i32
      %eq3A_527 = vector.broadcast %eq3A : i32 to vector<16xi32>
      %eq3A_528 = arith.cmpi eq, %get3A_526, %eq3A_527 : vector<16xi32>
      %jit3A = arith.constant 2.500000e-01 : f32
      %jit3A_529 = arith.constant 0.000000e+00 : f32
      %broadcast_in_dim3A = vector.broadcast %jit3A : f32 to vector<16xf32>
      %broadcast_in_dim3A_530 = vector.broadcast %jit3A_529 : f32 to vector<16xf32>
      %select_n3A = arith.select %eq3A_528, %broadcast_in_dim3A, %broadcast_in_dim3A_530 : vector<16xi1>, vector<16xf32>
      %eq3A_531 = arith.constant 0 : i32
      %eq3A_532 = vector.broadcast %eq3A_531 : i32 to vector<16xi32>
      %eq3A_533 = arith.cmpi eq, %get3A_526, %eq3A_532 : vector<16xi32>
      %jit3A_534 = arith.constant 1.000000e+00 : f32
      %broadcast_in_dim3A_535 = vector.broadcast %jit3A_534 : f32 to vector<16xf32>
      %select_n3A_536 = arith.select %eq3A_533, %broadcast_in_dim3A_535, %select_n3A : vector<16xi1>, vector<16xf32>
      %add3A_537 = arith.constant 3072 : i32
      %add3A_538 = arith.addi %add3A_537, %mul3A_522 : i32
      %swap3A = arith.constant 0 : i32
      %swap3A_539 = arith.index_cast %swap3A : i32 to index
      %swap3A_540 = arith.index_cast %add3A_538 : i32 to index
      %swap3A_541 = tpu.vector_load %arg5[%swap3A_539, %swap3A_540] {strides = array<i32>} : memref<4x4096xf32, #tpu.memory_space<vmem>>, vector<1x16xf32>,
      %swap3A_542 = vector.shape_cast %swap3A_541 : vector<1x16xf32> to vector<16xf32>
      %swap3A_543 = vector.shape_cast %select_n3A_536 : vector<16xf32> to vector<1x16xf32>
      tpu.vector_store %arg5[%swap3A_539, %swap3A_540], %swap3A_543 {strides = array<i32>} : memref<4x4096xf32, #tpu.memory_space<vmem>>, vector<1x16xf32>,
      %eq3A_544 = arith.constant 1 : i32
      %eq3A_545 = vector.broadcast %eq3A_544 : i32 to vector<16xi32>
      %eq3A_546 = arith.cmpi eq, %get3A_526, %eq3A_545 : vector<16xi32>
      %jit3A_547 = arith.constant 1.000000e+00 : f32
      %broadcast_in_dim3A_548 = vector.broadcast %jit3A_547 : f32 to vector<16xf32>
      %select_n3A_549 = arith.select %eq3A_546, %broadcast_in_dim3A_548, %select_n3A : vector<16xi1>, vector<16xf32>
      %add3A_550 = arith.constant 3072 : i32
      %add3A_551 = arith.addi %add3A_550, %mul3A_522 : i32
      %swap3A_552 = arith.constant 1 : i32
      %swap3A_553 = arith.index_cast %swap3A_552 : i32 to index
      %swap3A_554 = arith.index_cast %add3A_551 : i32 to index
      %swap3A_555 = tpu.vector_load %arg5[%swap3A_553, %swap3A_554] {strides = array<i32>} : memref<4x4096xf32, #tpu.memory_space<vmem>>, vector<1x16xf32>,
      %swap3A_556 = vector.shape_cast %swap3A_555 : vector<1x16xf32> to vector<16xf32>
      %swap3A_557 = vector.shape_cast %select_n3A_549 : vector<16xf32> to vector<1x16xf32>
      tpu.vector_store %arg5[%swap3A_553, %swap3A_554], %swap3A_557 {strides = array<i32>} : memref<4x4096xf32, #tpu.memory_space<vmem>>, vector<1x16xf32>,
      %eq3A_558 = arith.constant 2 : i32
      %eq3A_559 = vector.broadcast %eq3A_558 : i32 to vector<16xi32>
      %eq3A_560 = arith.cmpi eq, %get3A_526, %eq3A_559 : vector<16xi32>
      %jit3A_561 = arith.constant 1.000000e+00 : f32
      %broadcast_in_dim3A_562 = vector.broadcast %jit3A_561 : f32 to vector<16xf32>
      %select_n3A_563 = arith.select %eq3A_560, %broadcast_in_dim3A_562, %select_n3A : vector<16xi1>, vector<16xf32>
      %add3A_564 = arith.constant 3072 : i32
      %add3A_565 = arith.addi %add3A_564, %mul3A_522 : i32
      %swap3A_566 = arith.constant 2 : i32
      %swap3A_567 = arith.index_cast %swap3A_566 : i32 to index
      %swap3A_568 = arith.index_cast %add3A_565 : i32 to index
      %swap3A_569 = tpu.vector_load %arg5[%swap3A_567, %swap3A_568] {strides = array<i32>} : memref<4x4096xf32, #tpu.memory_space<vmem>>, vector<1x16xf32>,
      %swap3A_570 = vector.shape_cast %swap3A_569 : vector<1x16xf32> to vector<16xf32>
      %swap3A_571 = vector.shape_cast %select_n3A_563 : vector<16xf32> to vector<1x16xf32>
      tpu.vector_store %arg5[%swap3A_567, %swap3A_568], %swap3A_571 {strides = array<i32>} : memref<4x4096xf32, #tpu.memory_space<vmem>>, vector<1x16xf32>,
      %eq3A_572 = arith.constant 3 : i32
      %eq3A_573 = vector.broadcast %eq3A_572 : i32 to vector<16xi32>
      %eq3A_574 = arith.cmpi eq, %get3A_526, %eq3A_573 : vector<16xi32>
      %jit3A_575 = arith.constant 1.000000e+00 : f32
      %broadcast_in_dim3A_576 = vector.broadcast %jit3A_575 : f32 to vector<16xf32>
      %select_n3A_577 = arith.select %eq3A_574, %broadcast_in_dim3A_576, %select_n3A : vector<16xi1>, vector<16xf32>
      %add3A_578 = arith.constant 3072 : i32
      %add3A_579 = arith.addi %add3A_578, %mul3A_522 : i32
      %swap3A_580 = arith.constant 3 : i32
      %swap3A_581 = arith.index_cast %swap3A_580 : i32 to index
      %swap3A_582 = arith.index_cast %add3A_579 : i32 to index
      %swap3A_583 = tpu.vector_load %arg5[%swap3A_581, %swap3A_582] {strides = array<i32>} : memref<4x4096xf32, #tpu.memory_space<vmem>>, vector<1x16xf32>,
      %swap3A_584 = vector.shape_cast %swap3A_583 : vector<1x16xf32> to vector<16xf32>
      %swap3A_585 = vector.shape_cast %select_n3A_577 : vector<16xf32> to vector<1x16xf32>
      tpu.vector_store %arg5[%swap3A_581, %swap3A_582], %swap3A_585 {strides = array<i32>} : memref<4x4096xf32, #tpu.memory_space<vmem>>, vector<1x16xf32>,
    }
    %scan3A_271 = arith.constant 64 : i32
    %add3A_272 = arith.constant 3072 : i32
    %add3A_273 = arith.addi %mul3A_2, %add3A_272 : i32
    %dma_start3A_274 = arith.constant 0 : i32
    %dma_start3A_275 = arith.constant 0 : i32
    %dma_start3A_276 = arith.constant 3072 : i32
    %dma_start3A_277 = tpu.memref_slice %arg5[%dma_start3A_274, %dma_start3A_276] : memref<4x4096xf32, #tpu.memory_space<vmem>> -> memref<1x1024xf32, #tpu.memory_space<vmem>>
    %dma_start3A_278 = tpu.memref_squeeze %dma_start3A_277 : memref<1x1024xf32, #tpu.memory_space<vmem>> -> memref<1024xf32, #tpu.memory_space<vmem>>
    %dma_start3A_279 = tpu.memref_slice %arg3[%dma_start3A_275, %add3A_273] : memref<4x131072xf32, #tpu.memory_space<hbm>> -> memref<1x1024xf32, #tpu.memory_space<hbm>>
    %dma_start3A_280 = tpu.memref_squeeze %dma_start3A_279 : memref<1x1024xf32, #tpu.memory_space<hbm>> -> memref<1024xf32, #tpu.memory_space<hbm>>
    %dma_start3A_281 = tpu.memref_slice %arg3[%dma_start3A_275, %add3A_273] : memref<4x131072xf32, #tpu.memory_space<hbm>> -> memref<1x1024xf32, #tpu.memory_space<hbm>>
    %dma_start3A_282 = tpu.memref_squeeze %dma_start3A_281 : memref<1x1024xf32, #tpu.memory_space<hbm>> -> memref<1024xf32, #tpu.memory_space<hbm>>
    %dma_start3A_283 = arith.constant 3072 : i32
    %dma_start3A_284 = tpu.memref_slice %arg5[%dma_start3A_274, %dma_start3A_283] : memref<4x4096xf32, #tpu.memory_space<vmem>> -> memref<1x1024xf32, #tpu.memory_space<vmem>>
    %dma_start3A_285 = tpu.memref_squeeze %dma_start3A_284 : memref<1x1024xf32, #tpu.memory_space<vmem>> -> memref<1024xf32, #tpu.memory_space<vmem>>
    tpu.enqueue_dma source(%dma_start3A_285 : memref<1024xf32, #tpu.memory_space<vmem>>) target(%dma_start3A_282 : memref<1024xf32, #tpu.memory_space<hbm>>) target_semaphore(%arg7 : memref<!tpu.dma_semaphore, #tpu.memory_space<semaphore_mem>>)
    %add3A_286 = arith.constant 3072 : i32
    %add3A_287 = arith.addi %mul3A_2, %add3A_286 : i32
    %dma_start3A_288 = arith.constant 1 : i32
    %dma_start3A_289 = arith.constant 1 : i32
    %dma_start3A_290 = arith.constant 3072 : i32
    %dma_start3A_291 = tpu.memref_slice %arg5[%dma_start3A_288, %dma_start3A_290] : memref<4x4096xf32, #tpu.memory_space<vmem>> -> memref<1x1024xf32, #tpu.memory_space<vmem>>
    %dma_start3A_292 = tpu.memref_squeeze %dma_start3A_291 : memref<1x1024xf32, #tpu.memory_space<vmem>> -> memref<1024xf32, #tpu.memory_space<vmem>>
    %dma_start3A_293 = tpu.memref_slice %arg3[%dma_start3A_289, %add3A_287] : memref<4x131072xf32, #tpu.memory_space<hbm>> -> memref<1x1024xf32, #tpu.memory_space<hbm>>
    %dma_start3A_294 = tpu.memref_squeeze %dma_start3A_293 : memref<1x1024xf32, #tpu.memory_space<hbm>> -> memref<1024xf32, #tpu.memory_space<hbm>>
    %dma_start3A_295 = tpu.memref_slice %arg3[%dma_start3A_289, %add3A_287] : memref<4x131072xf32, #tpu.memory_space<hbm>> -> memref<1x1024xf32, #tpu.memory_space<hbm>>
    %dma_start3A_296 = tpu.memref_squeeze %dma_start3A_295 : memref<1x1024xf32, #tpu.memory_space<hbm>> -> memref<1024xf32, #tpu.memory_space<hbm>>
    %dma_start3A_297 = arith.constant 3072 : i32
    %dma_start3A_298 = tpu.memref_slice %arg5[%dma_start3A_288, %dma_start3A_297] : memref<4x4096xf32, #tpu.memory_space<vmem>> -> memref<1x1024xf32, #tpu.memory_space<vmem>>
    %dma_start3A_299 = tpu.memref_squeeze %dma_start3A_298 : memref<1x1024xf32, #tpu.memory_space<vmem>> -> memref<1024xf32, #tpu.memory_space<vmem>>
    tpu.enqueue_dma source(%dma_start3A_299 : memref<1024xf32, #tpu.memory_space<vmem>>) target(%dma_start3A_296 : memref<1024xf32, #tpu.memory_space<hbm>>) target_semaphore(%arg7 : memref<!tpu.dma_semaphore, #tpu.memory_space<semaphore_mem>>)
    %add3A_300 = arith.constant 3072 : i32
    %add3A_301 = arith.addi %mul3A_2, %add3A_300 : i32
    %dma_start3A_302 = arith.constant 2 : i32
    %dma_start3A_303 = arith.constant 2 : i32
    %dma_start3A_304 = arith.constant 3072 : i32
    %dma_start3A_305 = tpu.memref_slice %arg5[%dma_start3A_302, %dma_start3A_304] : memref<4x4096xf32, #tpu.memory_space<vmem>> -> memref<1x1024xf32, #tpu.memory_space<vmem>>
    %dma_start3A_306 = tpu.memref_squeeze %dma_start3A_305 : memref<1x1024xf32, #tpu.memory_space<vmem>> -> memref<1024xf32, #tpu.memory_space<vmem>>
    %dma_start3A_307 = tpu.memref_slice %arg3[%dma_start3A_303, %add3A_301] : memref<4x131072xf32, #tpu.memory_space<hbm>> -> memref<1x1024xf32, #tpu.memory_space<hbm>>
    %dma_start3A_308 = tpu.memref_squeeze %dma_start3A_307 : memref<1x1024xf32, #tpu.memory_space<hbm>> -> memref<1024xf32, #tpu.memory_space<hbm>>
    %dma_start3A_309 = tpu.memref_slice %arg3[%dma_start3A_303, %add3A_301] : memref<4x131072xf32, #tpu.memory_space<hbm>> -> memref<1x1024xf32, #tpu.memory_space<hbm>>
    %dma_start3A_310 = tpu.memref_squeeze %dma_start3A_309 : memref<1x1024xf32, #tpu.memory_space<hbm>> -> memref<1024xf32, #tpu.memory_space<hbm>>
    %dma_start3A_311 = arith.constant 3072 : i32
    %dma_start3A_312 = tpu.memref_slice %arg5[%dma_start3A_302, %dma_start3A_311] : memref<4x4096xf32, #tpu.memory_space<vmem>> -> memref<1x1024xf32, #tpu.memory_space<vmem>>
    %dma_start3A_313 = tpu.memref_squeeze %dma_start3A_312 : memref<1x1024xf32, #tpu.memory_space<vmem>> -> memref<1024xf32, #tpu.memory_space<vmem>>
    tpu.enqueue_dma source(%dma_start3A_313 : memref<1024xf32, #tpu.memory_space<vmem>>) target(%dma_start3A_310 : memref<1024xf32, #tpu.memory_space<hbm>>) target_semaphore(%arg7 : memref<!tpu.dma_semaphore, #tpu.memory_space<semaphore_mem>>)
    %add3A_314 = arith.constant 3072 : i32
    %add3A_315 = arith.addi %mul3A_2, %add3A_314 : i32
    %dma_start3A_316 = arith.constant 3 : i32
    %dma_start3A_317 = arith.constant 3 : i32
    %dma_start3A_318 = arith.constant 3072 : i32
    %dma_start3A_319 = tpu.memref_slice %arg5[%dma_start3A_316, %dma_start3A_318] : memref<4x4096xf32, #tpu.memory_space<vmem>> -> memref<1x1024xf32, #tpu.memory_space<vmem>>
    %dma_start3A_320 = tpu.memref_squeeze %dma_start3A_319 : memref<1x1024xf32, #tpu.memory_space<vmem>> -> memref<1024xf32, #tpu.memory_space<vmem>>
    %dma_start3A_321 = tpu.memref_slice %arg3[%dma_start3A_317, %add3A_315] : memref<4x131072xf32, #tpu.memory_space<hbm>> -> memref<1x1024xf32, #tpu.memory_space<hbm>>
    %dma_start3A_322 = tpu.memref_squeeze %dma_start3A_321 : memref<1x1024xf32, #tpu.memory_space<hbm>> -> memref<1024xf32, #tpu.memory_space<hbm>>
    %dma_start3A_323 = tpu.memref_slice %arg3[%dma_start3A_317, %add3A_315] : memref<4x131072xf32, #tpu.memory_space<hbm>> -> memref<1x1024xf32, #tpu.memory_space<hbm>>
    %dma_start3A_324 = tpu.memref_squeeze %dma_start3A_323 : memref<1x1024xf32, #tpu.memory_space<hbm>> -> memref<1024xf32, #tpu.memory_space<hbm>>
    %dma_start3A_325 = arith.constant 3072 : i32
    %dma_start3A_326 = tpu.memref_slice %arg5[%dma_start3A_316, %dma_start3A_325] : memref<4x4096xf32, #tpu.memory_space<vmem>> -> memref<1x1024xf32, #tpu.memory_space<vmem>>
    %dma_start3A_327 = tpu.memref_squeeze %dma_start3A_326 : memref<1x1024xf32, #tpu.memory_space<vmem>> -> memref<1024xf32, #tpu.memory_space<vmem>>
    tpu.enqueue_dma source(%dma_start3A_327 : memref<1024xf32, #tpu.memory_space<vmem>>) target(%dma_start3A_324 : memref<1024xf32, #tpu.memory_space<hbm>>) target_semaphore(%arg7 : memref<!tpu.dma_semaphore, #tpu.memory_space<semaphore_mem>>)
    %dma_wait3A_328 = arith.constant 0 : i32
    %dma_wait3A_329 = arith.constant 0 : i32
    %dma_wait3A_330 = arith.constant 0 : i32
    %dma_wait3A_331 = tpu.memref_slice %arg5[%dma_wait3A_328, %dma_wait3A_330] : memref<4x4096xf32, #tpu.memory_space<vmem>> -> memref<1x1024xf32, #tpu.memory_space<vmem>>
    %dma_wait3A_332 = tpu.memref_squeeze %dma_wait3A_331 : memref<1x1024xf32, #tpu.memory_space<vmem>> -> memref<1024xf32, #tpu.memory_space<vmem>>
    %dma_wait3A_333 = tpu.memref_slice %arg3[%dma_wait3A_329, %add3A_60] : memref<4x131072xf32, #tpu.memory_space<hbm>> -> memref<1x1024xf32, #tpu.memory_space<hbm>>
    %dma_wait3A_334 = tpu.memref_squeeze %dma_wait3A_333 : memref<1x1024xf32, #tpu.memory_space<hbm>> -> memref<1024xf32, #tpu.memory_space<hbm>>
    %dma_wait3A_335 = tpu.memref_slice %arg3[%dma_wait3A_329, %add3A_60] : memref<4x131072xf32, #tpu.memory_space<hbm>> -> memref<1x1024xf32, #tpu.memory_space<hbm>>
    %dma_wait3A_336 = tpu.memref_squeeze %dma_wait3A_335 : memref<1x1024xf32, #tpu.memory_space<hbm>> -> memref<1024xf32, #tpu.memory_space<hbm>>
    %dma_wait3A_337 = arith.constant 0 : i32
    %dma_wait3A_338 = tpu.memref_slice %arg5[%dma_wait3A_328, %dma_wait3A_337] : memref<4x4096xf32, #tpu.memory_space<vmem>> -> memref<1x1024xf32, #tpu.memory_space<vmem>>
    %dma_wait3A_339 = tpu.memref_squeeze %dma_wait3A_338 : memref<1x1024xf32, #tpu.memory_space<vmem>> -> memref<1024xf32, #tpu.memory_space<vmem>>
    tpu.wait_dma2 semaphore(%arg7 : memref<!tpu.dma_semaphore, #tpu.memory_space<semaphore_mem>>) src(%dma_wait3A_339 : memref<1024xf32, #tpu.memory_space<vmem>>) dst(%dma_wait3A_336 : memref<1024xf32, #tpu.memory_space<hbm>>)
    %dma_wait3A_340 = arith.constant 1 : i32
    %dma_wait3A_341 = arith.constant 1 : i32
    %dma_wait3A_342 = arith.constant 0 : i32
    %dma_wait3A_343 = tpu.memref_slice %arg5[%dma_wait3A_340, %dma_wait3A_342] : memref<4x4096xf32, #tpu.memory_space<vmem>> -> memref<1x1024xf32, #tpu.memory_space<vmem>>
    %dma_wait3A_344 = tpu.memref_squeeze %dma_wait3A_343 : memref<1x1024xf32, #tpu.memory_space<vmem>> -> memref<1024xf32, #tpu.memory_space<vmem>>
    %dma_wait3A_345 = tpu.memref_slice %arg3[%dma_wait3A_341, %add3A_74] : memref<4x131072xf32, #tpu.memory_space<hbm>> -> memref<1x1024xf32, #tpu.memory_space<hbm>>
    %dma_wait3A_346 = tpu.memref_squeeze %dma_wait3A_345 : memref<1x1024xf32, #tpu.memory_space<hbm>> -> memref<1024xf32, #tpu.memory_space<hbm>>
    %dma_wait3A_347 = tpu.memref_slice %arg3[%dma_wait3A_341, %add3A_74] : memref<4x131072xf32, #tpu.memory_space<hbm>> -> memref<1x1024xf32, #tpu.memory_space<hbm>>
    %dma_wait3A_348 = tpu.memref_squeeze %dma_wait3A_347 : memref<1x1024xf32, #tpu.memory_space<hbm>> -> memref<1024xf32, #tpu.memory_space<hbm>>
    %dma_wait3A_349 = arith.constant 0 : i32
    %dma_wait3A_350 = tpu.memref_slice %arg5[%dma_wait3A_340, %dma_wait3A_349] : memref<4x4096xf32, #tpu.memory_space<vmem>> -> memref<1x1024xf32, #tpu.memory_space<vmem>>
    %dma_wait3A_351 = tpu.memref_squeeze %dma_wait3A_350 : memref<1x1024xf32, #tpu.memory_space<vmem>> -> memref<1024xf32, #tpu.memory_space<vmem>>
    tpu.wait_dma2 semaphore(%arg7 : memref<!tpu.dma_semaphore, #tpu.memory_space<semaphore_mem>>) src(%dma_wait3A_351 : memref<1024xf32, #tpu.memory_space<vmem>>) dst(%dma_wait3A_348 : memref<1024xf32, #tpu.memory_space<hbm>>)
    %dma_wait3A_352 = arith.constant 2 : i32
    %dma_wait3A_353 = arith.constant 2 : i32
    %dma_wait3A_354 = arith.constant 0 : i32
    %dma_wait3A_355 = tpu.memref_slice %arg5[%dma_wait3A_352, %dma_wait3A_354] : memref<4x4096xf32, #tpu.memory_space<vmem>> -> memref<1x1024xf32, #tpu.memory_space<vmem>>
    %dma_wait3A_356 = tpu.memref_squeeze %dma_wait3A_355 : memref<1x1024xf32, #tpu.memory_space<vmem>> -> memref<1024xf32, #tpu.memory_space<vmem>>
    %dma_wait3A_357 = tpu.memref_slice %arg3[%dma_wait3A_353, %add3A_88] : memref<4x131072xf32, #tpu.memory_space<hbm>> -> memref<1x1024xf32, #tpu.memory_space<hbm>>
    %dma_wait3A_358 = tpu.memref_squeeze %dma_wait3A_357 : memref<1x1024xf32, #tpu.memory_space<hbm>> -> memref<1024xf32, #tpu.memory_space<hbm>>
    %dma_wait3A_359 = tpu.memref_slice %arg3[%dma_wait3A_353, %add3A_88] : memref<4x131072xf32, #tpu.memory_space<hbm>> -> memref<1x1024xf32, #tpu.memory_space<hbm>>
    %dma_wait3A_360 = tpu.memref_squeeze %dma_wait3A_359 : memref<1x1024xf32, #tpu.memory_space<hbm>> -> memref<1024xf32, #tpu.memory_space<hbm>>
    %dma_wait3A_361 = arith.constant 0 : i32
    %dma_wait3A_362 = tpu.memref_slice %arg5[%dma_wait3A_352, %dma_wait3A_361] : memref<4x4096xf32, #tpu.memory_space<vmem>> -> memref<1x1024xf32, #tpu.memory_space<vmem>>
    %dma_wait3A_363 = tpu.memref_squeeze %dma_wait3A_362 : memref<1x1024xf32, #tpu.memory_space<vmem>> -> memref<1024xf32, #tpu.memory_space<vmem>>
    tpu.wait_dma2 semaphore(%arg7 : memref<!tpu.dma_semaphore, #tpu.memory_space<semaphore_mem>>) src(%dma_wait3A_363 : memref<1024xf32, #tpu.memory_space<vmem>>) dst(%dma_wait3A_360 : memref<1024xf32, #tpu.memory_space<hbm>>)
    %dma_wait3A_364 = arith.constant 3 : i32
    %dma_wait3A_365 = arith.constant 3 : i32
    %dma_wait3A_366 = arith.constant 0 : i32
    %dma_wait3A_367 = tpu.memref_slice %arg5[%dma_wait3A_364, %dma_wait3A_366] : memref<4x4096xf32, #tpu.memory_space<vmem>> -> memref<1x1024xf32, #tpu.memory_space<vmem>>
    %dma_wait3A_368 = tpu.memref_squeeze %dma_wait3A_367 : memref<1x1024xf32, #tpu.memory_space<vmem>> -> memref<1024xf32, #tpu.memory_space<vmem>>
    %dma_wait3A_369 = tpu.memref_slice %arg3[%dma_wait3A_365, %add3A_102] : memref<4x131072xf32, #tpu.memory_space<hbm>> -> memref<1x1024xf32, #tpu.memory_space<hbm>>
    %dma_wait3A_370 = tpu.memref_squeeze %dma_wait3A_369 : memref<1x1024xf32, #tpu.memory_space<hbm>> -> memref<1024xf32, #tpu.memory_space<hbm>>
    %dma_wait3A_371 = tpu.memref_slice %arg3[%dma_wait3A_365, %add3A_102] : memref<4x131072xf32, #tpu.memory_space<hbm>> -> memref<1x1024xf32, #tpu.memory_space<hbm>>
    %dma_wait3A_372 = tpu.memref_squeeze %dma_wait3A_371 : memref<1x1024xf32, #tpu.memory_space<hbm>> -> memref<1024xf32, #tpu.memory_space<hbm>>
    %dma_wait3A_373 = arith.constant 0 : i32
    %dma_wait3A_374 = tpu.memref_slice %arg5[%dma_wait3A_364, %dma_wait3A_373] : memref<4x4096xf32, #tpu.memory_space<vmem>> -> memref<1x1024xf32, #tpu.memory_space<vmem>>
    %dma_wait3A_375 = tpu.memref_squeeze %dma_wait3A_374 : memref<1x1024xf32, #tpu.memory_space<vmem>> -> memref<1024xf32, #tpu.memory_space<vmem>>
    tpu.wait_dma2 semaphore(%arg7 : memref<!tpu.dma_semaphore, #tpu.memory_space<semaphore_mem>>) src(%dma_wait3A_375 : memref<1024xf32, #tpu.memory_space<vmem>>) dst(%dma_wait3A_372 : memref<1024xf32, #tpu.memory_space<hbm>>)
    %dma_wait3A_376 = arith.constant 0 : i32
    %dma_wait3A_377 = arith.constant 0 : i32
    %dma_wait3A_378 = arith.constant 1024 : i32
    %dma_wait3A_379 = tpu.memref_slice %arg5[%dma_wait3A_376, %dma_wait3A_378] : memref<4x4096xf32, #tpu.memory_space<vmem>> -> memref<1x1024xf32, #tpu.memory_space<vmem>>
    %dma_wait3A_380 = tpu.memref_squeeze %dma_wait3A_379 : memref<1x1024xf32, #tpu.memory_space<vmem>> -> memref<1024xf32, #tpu.memory_space<vmem>>
    %dma_wait3A_381 = tpu.memref_slice %arg3[%dma_wait3A_377, %add3A_131] : memref<4x131072xf32, #tpu.memory_space<hbm>> -> memref<1x1024xf32, #tpu.memory_space<hbm>>
    %dma_wait3A_382 = tpu.memref_squeeze %dma_wait3A_381 : memref<1x1024xf32, #tpu.memory_space<hbm>> -> memref<1024xf32, #tpu.memory_space<hbm>>
    %dma_wait3A_383 = tpu.memref_slice %arg3[%dma_wait3A_377, %add3A_131] : memref<4x131072xf32, #tpu.memory_space<hbm>> -> memref<1x1024xf32, #tpu.memory_space<hbm>>
    %dma_wait3A_384 = tpu.memref_squeeze %dma_wait3A_383 : memref<1x1024xf32, #tpu.memory_space<hbm>> -> memref<1024xf32, #tpu.memory_space<hbm>>
    %dma_wait3A_385 = arith.constant 1024 : i32
    %dma_wait3A_386 = tpu.memref_slice %arg5[%dma_wait3A_376, %dma_wait3A_385] : memref<4x4096xf32, #tpu.memory_space<vmem>> -> memref<1x1024xf32, #tpu.memory_space<vmem>>
    %dma_wait3A_387 = tpu.memref_squeeze %dma_wait3A_386 : memref<1x1024xf32, #tpu.memory_space<vmem>> -> memref<1024xf32, #tpu.memory_space<vmem>>
    tpu.wait_dma2 semaphore(%arg7 : memref<!tpu.dma_semaphore, #tpu.memory_space<semaphore_mem>>) src(%dma_wait3A_387 : memref<1024xf32, #tpu.memory_space<vmem>>) dst(%dma_wait3A_384 : memref<1024xf32, #tpu.memory_space<hbm>>)
    %dma_wait3A_388 = arith.constant 1 : i32
    %dma_wait3A_389 = arith.constant 1 : i32
    %dma_wait3A_390 = arith.constant 1024 : i32
    %dma_wait3A_391 = tpu.memref_slice %arg5[%dma_wait3A_388, %dma_wait3A_390] : memref<4x4096xf32, #tpu.memory_space<vmem>> -> memref<1x1024xf32, #tpu.memory_space<vmem>>
    %dma_wait3A_392 = tpu.memref_squeeze %dma_wait3A_391 : memref<1x1024xf32, #tpu.memory_space<vmem>> -> memref<1024xf32, #tpu.memory_space<vmem>>
    %dma_wait3A_393 = tpu.memref_slice %arg3[%dma_wait3A_389, %add3A_145] : memref<4x131072xf32, #tpu.memory_space<hbm>> -> memref<1x1024xf32, #tpu.memory_space<hbm>>
    %dma_wait3A_394 = tpu.memref_squeeze %dma_wait3A_393 : memref<1x1024xf32, #tpu.memory_space<hbm>> -> memref<1024xf32, #tpu.memory_space<hbm>>
    %dma_wait3A_395 = tpu.memref_slice %arg3[%dma_wait3A_389, %add3A_145] : memref<4x131072xf32, #tpu.memory_space<hbm>> -> memref<1x1024xf32, #tpu.memory_space<hbm>>
    %dma_wait3A_396 = tpu.memref_squeeze %dma_wait3A_395 : memref<1x1024xf32, #tpu.memory_space<hbm>> -> memref<1024xf32, #tpu.memory_space<hbm>>
    %dma_wait3A_397 = arith.constant 1024 : i32
    %dma_wait3A_398 = tpu.memref_slice %arg5[%dma_wait3A_388, %dma_wait3A_397] : memref<4x4096xf32, #tpu.memory_space<vmem>> -> memref<1x1024xf32, #tpu.memory_space<vmem>>
    %dma_wait3A_399 = tpu.memref_squeeze %dma_wait3A_398 : memref<1x1024xf32, #tpu.memory_space<vmem>> -> memref<1024xf32, #tpu.memory_space<vmem>>
    tpu.wait_dma2 semaphore(%arg7 : memref<!tpu.dma_semaphore, #tpu.memory_space<semaphore_mem>>) src(%dma_wait3A_399 : memref<1024xf32, #tpu.memory_space<vmem>>) dst(%dma_wait3A_396 : memref<1024xf32, #tpu.memory_space<hbm>>)
    %dma_wait3A_400 = arith.constant 2 : i32
    %dma_wait3A_401 = arith.constant 2 : i32
    %dma_wait3A_402 = arith.constant 1024 : i32
    %dma_wait3A_403 = tpu.memref_slice %arg5[%dma_wait3A_400, %dma_wait3A_402] : memref<4x4096xf32, #tpu.memory_space<vmem>> -> memref<1x1024xf32, #tpu.memory_space<vmem>>
    %dma_wait3A_404 = tpu.memref_squeeze %dma_wait3A_403 : memref<1x1024xf32, #tpu.memory_space<vmem>> -> memref<1024xf32, #tpu.memory_space<vmem>>
    %dma_wait3A_405 = tpu.memref_slice %arg3[%dma_wait3A_401, %add3A_159] : memref<4x131072xf32, #tpu.memory_space<hbm>> -> memref<1x1024xf32, #tpu.memory_space<hbm>>
    %dma_wait3A_406 = tpu.memref_squeeze %dma_wait3A_405 : memref<1x1024xf32, #tpu.memory_space<hbm>> -> memref<1024xf32, #tpu.memory_space<hbm>>
    %dma_wait3A_407 = tpu.memref_slice %arg3[%dma_wait3A_401, %add3A_159] : memref<4x131072xf32, #tpu.memory_space<hbm>> -> memref<1x1024xf32, #tpu.memory_space<hbm>>
    %dma_wait3A_408 = tpu.memref_squeeze %dma_wait3A_407 : memref<1x1024xf32, #tpu.memory_space<hbm>> -> memref<1024xf32, #tpu.memory_space<hbm>>
    %dma_wait3A_409 = arith.constant 1024 : i32
    %dma_wait3A_410 = tpu.memref_slice %arg5[%dma_wait3A_400, %dma_wait3A_409] : memref<4x4096xf32, #tpu.memory_space<vmem>> -> memref<1x1024xf32, #tpu.memory_space<vmem>>
    %dma_wait3A_411 = tpu.memref_squeeze %dma_wait3A_410 : memref<1x1024xf32, #tpu.memory_space<vmem>> -> memref<1024xf32, #tpu.memory_space<vmem>>
    tpu.wait_dma2 semaphore(%arg7 : memref<!tpu.dma_semaphore, #tpu.memory_space<semaphore_mem>>) src(%dma_wait3A_411 : memref<1024xf32, #tpu.memory_space<vmem>>) dst(%dma_wait3A_408 : memref<1024xf32, #tpu.memory_space<hbm>>)
    %dma_wait3A_412 = arith.constant 3 : i32
    %dma_wait3A_413 = arith.constant 3 : i32
    %dma_wait3A_414 = arith.constant 1024 : i32
    %dma_wait3A_415 = tpu.memref_slice %arg5[%dma_wait3A_412, %dma_wait3A_414] : memref<4x4096xf32, #tpu.memory_space<vmem>> -> memref<1x1024xf32, #tpu.memory_space<vmem>>
    %dma_wait3A_416 = tpu.memref_squeeze %dma_wait3A_415 : memref<1x1024xf32, #tpu.memory_space<vmem>> -> memref<1024xf32, #tpu.memory_space<vmem>>
    %dma_wait3A_417 = tpu.memref_slice %arg3[%dma_wait3A_413, %add3A_173] : memref<4x131072xf32, #tpu.memory_space<hbm>> -> memref<1x1024xf32, #tpu.memory_space<hbm>>
    %dma_wait3A_418 = tpu.memref_squeeze %dma_wait3A_417 : memref<1x1024xf32, #tpu.memory_space<hbm>> -> memref<1024xf32, #tpu.memory_space<hbm>>
    %dma_wait3A_419 = tpu.memref_slice %arg3[%dma_wait3A_413, %add3A_173] : memref<4x131072xf32, #tpu.memory_space<hbm>> -> memref<1x1024xf32, #tpu.memory_space<hbm>>
    %dma_wait3A_420 = tpu.memref_squeeze %dma_wait3A_419 : memref<1x1024xf32, #tpu.memory_space<hbm>> -> memref<1024xf32, #tpu.memory_space<hbm>>
    %dma_wait3A_421 = arith.constant 1024 : i32
    %dma_wait3A_422 = tpu.memref_slice %arg5[%dma_wait3A_412, %dma_wait3A_421] : memref<4x4096xf32, #tpu.memory_space<vmem>> -> memref<1x1024xf32, #tpu.memory_space<vmem>>
    %dma_wait3A_423 = tpu.memref_squeeze %dma_wait3A_422 : memref<1x1024xf32, #tpu.memory_space<vmem>> -> memref<1024xf32, #tpu.memory_space<vmem>>
    tpu.wait_dma2 semaphore(%arg7 : memref<!tpu.dma_semaphore, #tpu.memory_space<semaphore_mem>>) src(%dma_wait3A_423 : memref<1024xf32, #tpu.memory_space<vmem>>) dst(%dma_wait3A_420 : memref<1024xf32, #tpu.memory_space<hbm>>)
    %dma_wait3A_424 = arith.constant 0 : i32
    %dma_wait3A_425 = arith.constant 0 : i32
    %dma_wait3A_426 = arith.constant 2048 : i32
    %dma_wait3A_427 = tpu.memref_slice %arg5[%dma_wait3A_424, %dma_wait3A_426] : memref<4x4096xf32, #tpu.memory_space<vmem>> -> memref<1x1024xf32, #tpu.memory_space<vmem>>
    %dma_wait3A_428 = tpu.memref_squeeze %dma_wait3A_427 : memref<1x1024xf32, #tpu.memory_space<vmem>> -> memref<1024xf32, #tpu.memory_space<vmem>>
    %dma_wait3A_429 = tpu.memref_slice %arg3[%dma_wait3A_425, %add3A_202] : memref<4x131072xf32, #tpu.memory_space<hbm>> -> memref<1x1024xf32, #tpu.memory_space<hbm>>
    %dma_wait3A_430 = tpu.memref_squeeze %dma_wait3A_429 : memref<1x1024xf32, #tpu.memory_space<hbm>> -> memref<1024xf32, #tpu.memory_space<hbm>>
    %dma_wait3A_431 = tpu.memref_slice %arg3[%dma_wait3A_425, %add3A_202] : memref<4x131072xf32, #tpu.memory_space<hbm>> -> memref<1x1024xf32, #tpu.memory_space<hbm>>
    %dma_wait3A_432 = tpu.memref_squeeze %dma_wait3A_431 : memref<1x1024xf32, #tpu.memory_space<hbm>> -> memref<1024xf32, #tpu.memory_space<hbm>>
    %dma_wait3A_433 = arith.constant 2048 : i32
    %dma_wait3A_434 = tpu.memref_slice %arg5[%dma_wait3A_424, %dma_wait3A_433] : memref<4x4096xf32, #tpu.memory_space<vmem>> -> memref<1x1024xf32, #tpu.memory_space<vmem>>
    %dma_wait3A_435 = tpu.memref_squeeze %dma_wait3A_434 : memref<1x1024xf32, #tpu.memory_space<vmem>> -> memref<1024xf32, #tpu.memory_space<vmem>>
    tpu.wait_dma2 semaphore(%arg7 : memref<!tpu.dma_semaphore, #tpu.memory_space<semaphore_mem>>) src(%dma_wait3A_435 : memref<1024xf32, #tpu.memory_space<vmem>>) dst(%dma_wait3A_432 : memref<1024xf32, #tpu.memory_space<hbm>>)
    %dma_wait3A_436 = arith.constant 1 : i32
    %dma_wait3A_437 = arith.constant 1 : i32
    %dma_wait3A_438 = arith.constant 2048 : i32
    %dma_wait3A_439 = tpu.memref_slice %arg5[%dma_wait3A_436, %dma_wait3A_438] : memref<4x4096xf32, #tpu.memory_space<vmem>> -> memref<1x1024xf32, #tpu.memory_space<vmem>>
    %dma_wait3A_440 = tpu.memref_squeeze %dma_wait3A_439 : memref<1x1024xf32, #tpu.memory_space<vmem>> -> memref<1024xf32, #tpu.memory_space<vmem>>
    %dma_wait3A_441 = tpu.memref_slice %arg3[%dma_wait3A_437, %add3A_216] : memref<4x131072xf32, #tpu.memory_space<hbm>> -> memref<1x1024xf32, #tpu.memory_space<hbm>>
    %dma_wait3A_442 = tpu.memref_squeeze %dma_wait3A_441 : memref<1x1024xf32, #tpu.memory_space<hbm>> -> memref<1024xf32, #tpu.memory_space<hbm>>
    %dma_wait3A_443 = tpu.memref_slice %arg3[%dma_wait3A_437, %add3A_216] : memref<4x131072xf32, #tpu.memory_space<hbm>> -> memref<1x1024xf32, #tpu.memory_space<hbm>>
    %dma_wait3A_444 = tpu.memref_squeeze %dma_wait3A_443 : memref<1x1024xf32, #tpu.memory_space<hbm>> -> memref<1024xf32, #tpu.memory_space<hbm>>
    %dma_wait3A_445 = arith.constant 2048 : i32
    %dma_wait3A_446 = tpu.memref_slice %arg5[%dma_wait3A_436, %dma_wait3A_445] : memref<4x4096xf32, #tpu.memory_space<vmem>> -> memref<1x1024xf32, #tpu.memory_space<vmem>>
    %dma_wait3A_447 = tpu.memref_squeeze %dma_wait3A_446 : memref<1x1024xf32, #tpu.memory_space<vmem>> -> memref<1024xf32, #tpu.memory_space<vmem>>
    tpu.wait_dma2 semaphore(%arg7 : memref<!tpu.dma_semaphore, #tpu.memory_space<semaphore_mem>>) src(%dma_wait3A_447 : memref<1024xf32, #tpu.memory_space<vmem>>) dst(%dma_wait3A_444 : memref<1024xf32, #tpu.memory_space<hbm>>)
    %dma_wait3A_448 = arith.constant 2 : i32
    %dma_wait3A_449 = arith.constant 2 : i32
    %dma_wait3A_450 = arith.constant 2048 : i32
    %dma_wait3A_451 = tpu.memref_slice %arg5[%dma_wait3A_448, %dma_wait3A_450] : memref<4x4096xf32, #tpu.memory_space<vmem>> -> memref<1x1024xf32, #tpu.memory_space<vmem>>
    %dma_wait3A_452 = tpu.memref_squeeze %dma_wait3A_451 : memref<1x1024xf32, #tpu.memory_space<vmem>> -> memref<1024xf32, #tpu.memory_space<vmem>>
    %dma_wait3A_453 = tpu.memref_slice %arg3[%dma_wait3A_449, %add3A_230] : memref<4x131072xf32, #tpu.memory_space<hbm>> -> memref<1x1024xf32, #tpu.memory_space<hbm>>
    %dma_wait3A_454 = tpu.memref_squeeze %dma_wait3A_453 : memref<1x1024xf32, #tpu.memory_space<hbm>> -> memref<1024xf32, #tpu.memory_space<hbm>>
    %dma_wait3A_455 = tpu.memref_slice %arg3[%dma_wait3A_449, %add3A_230] : memref<4x131072xf32, #tpu.memory_space<hbm>> -> memref<1x1024xf32, #tpu.memory_space<hbm>>
    %dma_wait3A_456 = tpu.memref_squeeze %dma_wait3A_455 : memref<1x1024xf32, #tpu.memory_space<hbm>> -> memref<1024xf32, #tpu.memory_space<hbm>>
    %dma_wait3A_457 = arith.constant 2048 : i32
    %dma_wait3A_458 = tpu.memref_slice %arg5[%dma_wait3A_448, %dma_wait3A_457] : memref<4x4096xf32, #tpu.memory_space<vmem>> -> memref<1x1024xf32, #tpu.memory_space<vmem>>
    %dma_wait3A_459 = tpu.memref_squeeze %dma_wait3A_458 : memref<1x1024xf32, #tpu.memory_space<vmem>> -> memref<1024xf32, #tpu.memory_space<vmem>>
    tpu.wait_dma2 semaphore(%arg7 : memref<!tpu.dma_semaphore, #tpu.memory_space<semaphore_mem>>) src(%dma_wait3A_459 : memref<1024xf32, #tpu.memory_space<vmem>>) dst(%dma_wait3A_456 : memref<1024xf32, #tpu.memory_space<hbm>>)
    %dma_wait3A_460 = arith.constant 3 : i32
    %dma_wait3A_461 = arith.constant 3 : i32
    %dma_wait3A_462 = arith.constant 2048 : i32
    %dma_wait3A_463 = tpu.memref_slice %arg5[%dma_wait3A_460, %dma_wait3A_462] : memref<4x4096xf32, #tpu.memory_space<vmem>> -> memref<1x1024xf32, #tpu.memory_space<vmem>>
    %dma_wait3A_464 = tpu.memref_squeeze %dma_wait3A_463 : memref<1x1024xf32, #tpu.memory_space<vmem>> -> memref<1024xf32, #tpu.memory_space<vmem>>
    %dma_wait3A_465 = tpu.memref_slice %arg3[%dma_wait3A_461, %add3A_244] : memref<4x131072xf32, #tpu.memory_space<hbm>> -> memref<1x1024xf32, #tpu.memory_space<hbm>>
    %dma_wait3A_466 = tpu.memref_squeeze %dma_wait3A_465 : memref<1x1024xf32, #tpu.memory_space<hbm>> -> memref<1024xf32, #tpu.memory_space<hbm>>
    %dma_wait3A_467 = tpu.memref_slice %arg3[%dma_wait3A_461, %add3A_244] : memref<4x131072xf32, #tpu.memory_space<hbm>> -> memref<1x1024xf32, #tpu.memory_space<hbm>>
    %dma_wait3A_468 = tpu.memref_squeeze %dma_wait3A_467 : memref<1x1024xf32, #tpu.memory_space<hbm>> -> memref<1024xf32, #tpu.memory_space<hbm>>
    %dma_wait3A_469 = arith.constant 2048 : i32
    %dma_wait3A_470 = tpu.memref_slice %arg5[%dma_wait3A_460, %dma_wait3A_469] : memref<4x4096xf32, #tpu.memory_space<vmem>> -> memref<1x1024xf32, #tpu.memory_space<vmem>>
    %dma_wait3A_471 = tpu.memref_squeeze %dma_wait3A_470 : memref<1x1024xf32, #tpu.memory_space<vmem>> -> memref<1024xf32, #tpu.memory_space<vmem>>
    tpu.wait_dma2 semaphore(%arg7 : memref<!tpu.dma_semaphore, #tpu.memory_space<semaphore_mem>>) src(%dma_wait3A_471 : memref<1024xf32, #tpu.memory_space<vmem>>) dst(%dma_wait3A_468 : memref<1024xf32, #tpu.memory_space<hbm>>)
    %dma_wait3A_472 = arith.constant 0 : i32
    %dma_wait3A_473 = arith.constant 0 : i32
    %dma_wait3A_474 = arith.constant 3072 : i32
    %dma_wait3A_475 = tpu.memref_slice %arg5[%dma_wait3A_472, %dma_wait3A_474] : memref<4x4096xf32, #tpu.memory_space<vmem>> -> memref<1x1024xf32, #tpu.memory_space<vmem>>
    %dma_wait3A_476 = tpu.memref_squeeze %dma_wait3A_475 : memref<1x1024xf32, #tpu.memory_space<vmem>> -> memref<1024xf32, #tpu.memory_space<vmem>>
    %dma_wait3A_477 = tpu.memref_slice %arg3[%dma_wait3A_473, %add3A_273] : memref<4x131072xf32, #tpu.memory_space<hbm>> -> memref<1x1024xf32, #tpu.memory_space<hbm>>
    %dma_wait3A_478 = tpu.memref_squeeze %dma_wait3A_477 : memref<1x1024xf32, #tpu.memory_space<hbm>> -> memref<1024xf32, #tpu.memory_space<hbm>>
    %dma_wait3A_479 = tpu.memref_slice %arg3[%dma_wait3A_473, %add3A_273] : memref<4x131072xf32, #tpu.memory_space<hbm>> -> memref<1x1024xf32, #tpu.memory_space<hbm>>
    %dma_wait3A_480 = tpu.memref_squeeze %dma_wait3A_479 : memref<1x1024xf32, #tpu.memory_space<hbm>> -> memref<1024xf32, #tpu.memory_space<hbm>>
    %dma_wait3A_481 = arith.constant 3072 : i32
    %dma_wait3A_482 = tpu.memref_slice %arg5[%dma_wait3A_472, %dma_wait3A_481] : memref<4x4096xf32, #tpu.memory_space<vmem>> -> memref<1x1024xf32, #tpu.memory_space<vmem>>
    %dma_wait3A_483 = tpu.memref_squeeze %dma_wait3A_482 : memref<1x1024xf32, #tpu.memory_space<vmem>> -> memref<1024xf32, #tpu.memory_space<vmem>>
    tpu.wait_dma2 semaphore(%arg7 : memref<!tpu.dma_semaphore, #tpu.memory_space<semaphore_mem>>) src(%dma_wait3A_483 : memref<1024xf32, #tpu.memory_space<vmem>>) dst(%dma_wait3A_480 : memref<1024xf32, #tpu.memory_space<hbm>>)
    %dma_wait3A_484 = arith.constant 1 : i32
    %dma_wait3A_485 = arith.constant 1 : i32
    %dma_wait3A_486 = arith.constant 3072 : i32
    %dma_wait3A_487 = tpu.memref_slice %arg5[%dma_wait3A_484, %dma_wait3A_486] : memref<4x4096xf32, #tpu.memory_space<vmem>> -> memref<1x1024xf32, #tpu.memory_space<vmem>>
    %dma_wait3A_488 = tpu.memref_squeeze %dma_wait3A_487 : memref<1x1024xf32, #tpu.memory_space<vmem>> -> memref<1024xf32, #tpu.memory_space<vmem>>
    %dma_wait3A_489 = tpu.memref_slice %arg3[%dma_wait3A_485, %add3A_287] : memref<4x131072xf32, #tpu.memory_space<hbm>> -> memref<1x1024xf32, #tpu.memory_space<hbm>>
    %dma_wait3A_490 = tpu.memref_squeeze %dma_wait3A_489 : memref<1x1024xf32, #tpu.memory_space<hbm>> -> memref<1024xf32, #tpu.memory_space<hbm>>
    %dma_wait3A_491 = tpu.memref_slice %arg3[%dma_wait3A_485, %add3A_287] : memref<4x131072xf32, #tpu.memory_space<hbm>> -> memref<1x1024xf32, #tpu.memory_space<hbm>>
    %dma_wait3A_492 = tpu.memref_squeeze %dma_wait3A_491 : memref<1x1024xf32, #tpu.memory_space<hbm>> -> memref<1024xf32, #tpu.memory_space<hbm>>
    %dma_wait3A_493 = arith.constant 3072 : i32
    %dma_wait3A_494 = tpu.memref_slice %arg5[%dma_wait3A_484, %dma_wait3A_493] : memref<4x4096xf32, #tpu.memory_space<vmem>> -> memref<1x1024xf32, #tpu.memory_space<vmem>>
    %dma_wait3A_495 = tpu.memref_squeeze %dma_wait3A_494 : memref<1x1024xf32, #tpu.memory_space<vmem>> -> memref<1024xf32, #tpu.memory_space<vmem>>
    tpu.wait_dma2 semaphore(%arg7 : memref<!tpu.dma_semaphore, #tpu.memory_space<semaphore_mem>>) src(%dma_wait3A_495 : memref<1024xf32, #tpu.memory_space<vmem>>) dst(%dma_wait3A_492 : memref<1024xf32, #tpu.memory_space<hbm>>)
    %dma_wait3A_496 = arith.constant 2 : i32
    %dma_wait3A_497 = arith.constant 2 : i32
    %dma_wait3A_498 = arith.constant 3072 : i32
    %dma_wait3A_499 = tpu.memref_slice %arg5[%dma_wait3A_496, %dma_wait3A_498] : memref<4x4096xf32, #tpu.memory_space<vmem>> -> memref<1x1024xf32, #tpu.memory_space<vmem>>
    %dma_wait3A_500 = tpu.memref_squeeze %dma_wait3A_499 : memref<1x1024xf32, #tpu.memory_space<vmem>> -> memref<1024xf32, #tpu.memory_space<vmem>>
    %dma_wait3A_501 = tpu.memref_slice %arg3[%dma_wait3A_497, %add3A_301] : memref<4x131072xf32, #tpu.memory_space<hbm>> -> memref<1x1024xf32, #tpu.memory_space<hbm>>
    %dma_wait3A_502 = tpu.memref_squeeze %dma_wait3A_501 : memref<1x1024xf32, #tpu.memory_space<hbm>> -> memref<1024xf32, #tpu.memory_space<hbm>>
    %dma_wait3A_503 = tpu.memref_slice %arg3[%dma_wait3A_497, %add3A_301] : memref<4x131072xf32, #tpu.memory_space<hbm>> -> memref<1x1024xf32, #tpu.memory_space<hbm>>
    %dma_wait3A_504 = tpu.memref_squeeze %dma_wait3A_503 : memref<1x1024xf32, #tpu.memory_space<hbm>> -> memref<1024xf32, #tpu.memory_space<hbm>>
    %dma_wait3A_505 = arith.constant 3072 : i32
    %dma_wait3A_506 = tpu.memref_slice %arg5[%dma_wait3A_496, %dma_wait3A_505] : memref<4x4096xf32, #tpu.memory_space<vmem>> -> memref<1x1024xf32, #tpu.memory_space<vmem>>
    %dma_wait3A_507 = tpu.memref_squeeze %dma_wait3A_506 : memref<1x1024xf32, #tpu.memory_space<vmem>> -> memref<1024xf32, #tpu.memory_space<vmem>>
    tpu.wait_dma2 semaphore(%arg7 : memref<!tpu.dma_semaphore, #tpu.memory_space<semaphore_mem>>) src(%dma_wait3A_507 : memref<1024xf32, #tpu.memory_space<vmem>>) dst(%dma_wait3A_504 : memref<1024xf32, #tpu.memory_space<hbm>>)
    %dma_wait3A_508 = arith.constant 3 : i32
    %dma_wait3A_509 = arith.constant 3 : i32
    %dma_wait3A_510 = arith.constant 3072 : i32
    %dma_wait3A_511 = tpu.memref_slice %arg5[%dma_wait3A_508, %dma_wait3A_510] : memref<4x4096xf32, #tpu.memory_space<vmem>> -> memref<1x1024xf32, #tpu.memory_space<vmem>>
    %dma_wait3A_512 = tpu.memref_squeeze %dma_wait3A_511 : memref<1x1024xf32, #tpu.memory_space<vmem>> -> memref<1024xf32, #tpu.memory_space<vmem>>
    %dma_wait3A_513 = tpu.memref_slice %arg3[%dma_wait3A_509, %add3A_315] : memref<4x131072xf32, #tpu.memory_space<hbm>> -> memref<1x1024xf32, #tpu.memory_space<hbm>>
    %dma_wait3A_514 = tpu.memref_squeeze %dma_wait3A_513 : memref<1x1024xf32, #tpu.memory_space<hbm>> -> memref<1024xf32, #tpu.memory_space<hbm>>
    %dma_wait3A_515 = tpu.memref_slice %arg3[%dma_wait3A_509, %add3A_315] : memref<4x131072xf32, #tpu.memory_space<hbm>> -> memref<1x1024xf32, #tpu.memory_space<hbm>>
    %dma_wait3A_516 = tpu.memref_squeeze %dma_wait3A_515 : memref<1x1024xf32, #tpu.memory_space<hbm>> -> memref<1024xf32, #tpu.memory_space<hbm>>
    %dma_wait3A_517 = arith.constant 3072 : i32
    %dma_wait3A_518 = tpu.memref_slice %arg5[%dma_wait3A_508, %dma_wait3A_517] : memref<4x4096xf32, #tpu.memory_space<vmem>> -> memref<1x1024xf32, #tpu.memory_space<vmem>>
    %dma_wait3A_519 = tpu.memref_squeeze %dma_wait3A_518 : memref<1x1024xf32, #tpu.memory_space<vmem>> -> memref<1024xf32, #tpu.memory_space<vmem>>
    tpu.wait_dma2 semaphore(%arg7 : memref<!tpu.dma_semaphore, #tpu.memory_space<semaphore_mem>>) src(%dma_wait3A_519 : memref<1024xf32, #tpu.memory_space<vmem>>) dst(%dma_wait3A_516 : memref<1024xf32, #tpu.memory_space<hbm>>)
    return
  }
}

</mosaic_0001>

<sc_bundles>
// kernel: _seq2tensor.3.cloned.1.call-start
scs
__scs_entry_jumppad:
0x0: {  	(pc) =	sbr.rel $0x88, $3  }
0x1: {  	(tag) =	ssettag $0x0;
	lr =	simm.s32 $0x1  }
0x2: {  	[smem:$0x3FA0] =	sst lr;
	_ =	strace $0xD0000000  }
0x3: {  	_ = 	snop  }
0x4: {  	_ = 	snop  }
0x5: {  	_ = 	snop  }
0x6: {  	_ = 	snop  }
0x7: {  	_ = 	snop  }
__scs_overlays_trampoline_lowered:
0x8: {  	[smem:$0x3FAF] =	sst s0  }
0x9: {  	[smem:$0x3FB0] =	sst s1  }
0xa: {  	[smem:$0x3FB1] =	sst s2  }
0xb: {  	[smem:$0x3FB2] =	sst s3  }
0xc: {  	[smem:$0x3FB3] =	sst s4  }
0xd: {  	[smem:$0x3FB4] =	sst s5  }
0xe: {  	[smem:$0x3FB5] =	sst s6  }
0xf: {  	[smem:$0x3FB6] =	sst s7  }
0x10: {  	[smem:$0x3FB7] =	sst s8  }
0x11: {  	[smem:$0x3FB8] =	sst s9;
	s0 =	simm.s32 @!p0 $0x0  }
0x12: {  	s1 =	sld [smem:$0x3F9E];
	s0 =	simm.s32 @p0 $0x1  }
0x13: {  	[smem:$0x3FB9] =	sst s0;
	s0 =	simm.s32 @!p1 $0x0  }
0x14: {  	s2 =	sld [smem:$0x3F9D];
	s0 =	simm.s32 @p1 $0x1  }
0x15: {  	[smem:$0x3FBA] =	sst s0;
	s0 =	simm.s32 @!p2 $0x0  }
0x16: {  	s3 =	sld [smem:$0x3FDB];
	s0 =	simm.s32 @p2 $0x1  }
0x17: {  	s4 =	simm.s32 $0x1BF5;
	[smem:$0x3FBC] =	sst s0  }
0x18: {  	s0 =	sld [smem:$0x3F9F];
	_ =	swait.ge [sflag:s4], $0x0  }
0x19: {  	s7 =	sld [smem:$0x3FA0]  }
0x1a: {  	s8 =	sadd.s32 $0xFFFFE003, lr  }
0x1b: {  	s9 =	sadd.s32 $0xFFFFFEF7, lr;
	s5 =	simm.s32 $0xFFFFFFFF;
	p2 =	slt.u32 s8, $0xFFFFF086  }
0x1c: {  	p1 =	slt.u32 s9, $0xF7A;
	s5 =	simm.s32 @!p2 $0x0  }
0x1d: {  	s5 =	simm.s32 @p1 $0x1;
	p0 =	seq.s32 s7, s2  }
0x1e: {  	s7 =	smul.u32 @!p0 $0xF7A, s2;
	p2 =	seq.s32 @!p0 s5, $0x0  }
0x1f: {  	s9 =	smul.u32 $0xF7A, s1;
	s8 =	simm.s32 @!p0 $0x1BF5;
	p2 =	por !p2, p0  }
0x20: {  	[sflag:s8] =	ssyncset.s32 @!p0 $0xFFFFF086;
	s6 =	sadd.s32 @!p0 s3, s7;
	s7 =	simm.s32 @!p0 $0x108  }
0x21: {  	s3 =	sadd.s32 s3, s9;
	s6 =	sadd.s32 @!p0 $0x88, s6;
	s7 =	simm.s32 @p2 $0x1082  }
0x22: {  	[simem:s7], [sflag:s8] =	dma.local @!p0 [hbm:s6], $0xF7A  }
0x23: {  	s9 =	sor.u32 $0xD0000000, s2;
	s6 =	simm.s32 $0x108;
	_ =	swait.ge @!p0 [sflag:s8], $0x0  }
0x24: {  	s3 =	sadd.s32 $0x88, s3;
	s6 =	simm.s32 @!p1 $0x1082;
	[sflag:s4] =	ssyncset.s32 $0xFFFFF086  }
0x25: {  	[simem:s6], [sflag:s4] =	dma.local [hbm:s3], $0xF7A  }
0x26: {  	[smem:$0x3FA0] =	sst s1;
	(tag) =	ssettag s2;
	_ =	strace s9  }
0x27: {  	s1 =	sld [smem:$0x3FB0]  }
0x28: {  	s2 =	sld [smem:$0x3FB1]  }
0x29: {  	s4 =	sld [smem:$0x3FB3]  }
0x2a: {  	p0 =	seq.s32 s5, $0x0;
	s5 =	sld [smem:$0x3FB4]  }
0x2b: {  	s6 =	sld [smem:$0x3FB5]  }
0x2c: {  	s7 =	sld [smem:$0x3FB6]  }
0x2d: {  	s3 =	simm.s32 $0x108;
	s8 =	sld [smem:$0x3FB7]  }
0x2e: {  	s3 =	simm.s32 @!p0 $0x1082;
	s9 =	sld [smem:$0x3FB8]  }
0x2f: {  	lr =	sadd.s32 s0, s3;
	s0 =	sld [smem:$0x3FAF]  }
0x30: {  	s3 =	sld [smem:$0x3FB2]  }
0x31: {  	[smem:$0x3FBB] =	sst s10  }
0x32: {  	s10 =	sld [smem:$0x3FB9];
	_ =	sdelay $0x3  }
0x33: {  	p0 =	seq.s32 s10, $0x1;
	s10 =	sld [smem:$0x3FBB];
	_ =	sdelay $0x3  }
0x34: {  	[smem:$0x3FBB] =	sst s10  }
0x35: {  	s10 =	sld [smem:$0x3FBA];
	_ =	sdelay $0x3  }
0x36: {  	p1 =	seq.s32 s10, $0x1;
	s10 =	sld [smem:$0x3FBB];
	_ =	sdelay $0x3  }
0x37: {  	[smem:$0x3FBB] =	sst s10  }
0x38: {  	s10 =	sld [smem:$0x3FBC]  }
0x39: {  	_ = 	snop;
	(pc) =	sbr.ind lr, $3  }
0x3a: {  	_ = 	snop  }
0x3b: {  	_ = 	snop  }
0x3c: {  	p2 =	seq.s32 s10, $0x1;
	s10 =	sld [smem:$0x3FBB]  }
0x3d: {  	_ =	shalt  }
0x3e: {  	_ =	shalt  }
0x3f: {  	_ =	shalt  }
0x40: {  	_ =	shalt  }
0x41: {  	_ =	shalt  }
0x42: {  	_ =	shalt  }
0x43: {  	_ =	shalt  }
0x44: {  	_ =	shalt  }
0x45: {  	_ =	shalt  }
0x46: {  	_ =	shalt  }
0x47: {  	_ =	shalt  }
0x48: {  	_ =	shalt  }
0x49: {  	_ =	shalt  }
0x4a: {  	_ =	shalt  }
0x4b: {  	_ =	shalt  }
0x4c: {  	_ =	shalt  }
0x4d: {  	_ =	shalt  }
0x4e: {  	_ =	shalt  }
0x4f: {  	_ =	shalt  }
0x50: {  	_ =	shalt  }
0x51: {  	_ =	shalt  }
0x52: {  	_ =	shalt  }
0x53: {  	_ =	shalt  }
0x54: {  	_ =	shalt  }
0x55: {  	_ =	shalt  }
0x56: {  	_ =	shalt  }
0x57: {  	_ =	shalt  }
0x58: {  	_ =	shalt  }
0x59: {  	_ =	shalt  }
0x5a: {  	_ =	shalt  }
0x5b: {  	_ =	shalt  }
0x5c: {  	_ =	shalt  }
0x5d: {  	_ =	shalt  }
0x5e: {  	_ =	shalt  }
0x5f: {  	_ =	shalt  }
0x60: {  	_ =	shalt  }
0x61: {  	_ =	shalt  }
0x62: {  	_ =	shalt  }
0x63: {  	_ =	shalt  }
0x64: {  	_ =	shalt  }
0x65: {  	_ =	shalt  }
0x66: {  	_ =	shalt  }
0x67: {  	_ =	shalt  }
0x68: {  	_ =	shalt  }
0x69: {  	_ =	shalt  }
0x6a: {  	_ =	shalt  }
0x6b: {  	_ =	shalt  }
0x6c: {  	_ =	shalt  }
0x6d: {  	_ =	shalt  }
0x6e: {  	_ =	shalt  }
0x6f: {  	_ =	shalt  }
0x70: {  	_ =	shalt  }
0x71: {  	_ =	shalt  }
0x72: {  	_ =	shalt  }
0x73: {  	_ =	shalt  }
0x74: {  	_ =	shalt  }
0x75: {  	_ =	shalt  }
0x76: {  	_ =	shalt  }
0x77: {  	_ =	shalt  }
0x78: {  	_ =	shalt  }
0x79: {  	_ =	shalt  }
0x7a: {  	_ =	shalt  }
0x7b: {  	_ =	shalt  }
0x7c: {  	_ =	shalt  }
0x7d: {  	_ =	shalt  }
0x7e: {  	_ =	shalt  }
0x7f: {  	_ =	shalt  }
0x80: {  	_ =	shalt  }
0x81: {  	_ =	shalt  }
0x82: {  	_ =	shalt  }
0x83: {  	_ =	shalt  }
0x84: {  	_ =	shalt  }
0x85: {  	_ =	shalt  }
0x86: {  	_ =	shalt  }
0x87: {  	_ =	shalt  }
.Lfunc_end0:
.L_simem_size_0:
called_computation_lowered:
.L_overlay_start_0:
0x88: {  	s2 =	sld [smem:$0x3FD9]  }
0x89: {  	s3 =	sld [smem:$0x3FFE];
	_ =	sdelay $0x1  }
0x8a: {  	s1 =	srdreg.scid  }
0x8b: {  	s0 =	sand.u32 $0x1, s1  }
0x8c: {  	s18 =	sshll.u32 s0, $0xA;
	s2 =	sadd.s32 s3, s2  }
0x8d: {  	s2 =	sadd.s32 s2, s18  }
0x8e: {  	[smem:$0x3FC7] =	sst s2  }
0x8f: {  	_ = 	snop  }
0x90: {  	s2 =	sld [smem:$0x3FC9]  }
0x91: {  	s19 =	sld [smem:$0x3FD0];
	(tm) =	ssettm $0x1  }
0x92: {  	s4 =	sld [smem:$0x3FFB];
	_ =	sdelay $0x3  }
0x93: {  	_ =	strace s4  }
0x94: {  	s4 =	sld [smem:$0x3FFC];
	_ =	sdelay $0x3  }
0x95: {  	_ =	strace s4  }
0x96: {  	s4 =	sld [smem:$0x3FFD];
	_ =	sdelay $0x3  }
0x97: {  	_ =	strace s4  }
0x98: {  	_ =	strace $0x8FFFFFFF  }
0x99: {  	s20 =	sld [smem:$0x3FDB];
	_ =	sdelay $0x1  }
0x9a: {  	s5 =	simm.s32 $_scs_section_size  }
0x9b: {  	s6 =	simm.s32 $_size__tile_overlayer_lowered;
	s7 =	simm.s32 $_tile_overlayer_lowered  }
0x9c: {  	s23 =	simm.s32 $0x1BFF;
	s22 =	sshll.u32 s7, $0x1;
	s4 =	sadd.s32 s5, s20  }
0x9d: {  	s8 =	simm.s32 $0x0;
	s21 =	sshll.u32 s6, $0x1;
	s6 =	sadd.s32 s22, s4  }
0x9e: {  	[timem:s8], [sflag:s23] =	dma.local [hbm:s6], s21  }
0x9f: {  	_ =	swait.ge [sflag:s23], s21  }
0xa0: {  	s5 =	ssub.s32 $0x0, s21;
	[sflag:s23] =	ssyncset.done $0x0  }
0xa1: {  	[sflag:s23] =	ssyncadd.s32 s5;
	_ =	sdelay $0x1  }
0xa2: {  	s24 =	simm.s32 $0x1B8B  }
0xa3: {  	_ =	swait.ge [sflag:s24], $0x1  }
0xa4: {  	[sflag:s24] =	ssyncset.done $0x0  }
0xa5: {  	s25 =	simm.s32 $0x1B8E;
	[sflag:s24] =	ssyncadd.s32 $0xFFFFFFFF  }
0xa6: {  	s26 =	simm.s32 $execute0_lowered;
	[smem:$0x3FD2] =	sst s25  }
0xa7: {  	s5 =	sshll.u32 s26, $0x1;
	_ =	strace $0x80000046;
	[dreg:$0x1] =	wrdreg $0xFFFFFFFF  }
0xa8: {  	s28 =	simm.s32 $_size_execute0_lowered;
	s4 =	sadd.s32 s4, s5;
	[dreg:$0x0] =	wrdreg $0x0  }
0xa9: {  	s5 =	sshll.u32 s28, $0x1;
	[dreg:$0x2] =	wrdreg s4  }
0xaa: {  	[dreg:$0x3] =	wrdreg s5  }
0xab: {  	[dreg:$0x4] =	wrdreg $0xC0  }
0xac: {  	_ =	task [dreg:s8], $0x5FFFF  }
0xad: {  	[dreg:$0x1] =	wrdreg $0xFFFFFFFF  }
0xae: {  	[dreg:$0x0] =	wrdreg $0x60  }
0xaf: {  	[dreg:$0x2] =	wrdreg s2  }
0xb0: {  	[dreg:$0x3] =	wrdreg s19  }
0xb1: {  	[dreg:$0x4] =	wrdreg $0x9  }
0xb2: {  	_ =	task.clear_ibuf [dreg:s8], $0x5FFFF;
	_ =	strace $0x90000046  }
0xb3: {  	s29 =	simm.s32 $0x9;
	_ =	strace $0x80000048  }
0xb4: {  	_ =	swait.ge [sflag:s29], $0x1  }
0xb5: {  	[sflag:s29] =	ssyncadd.s32 $0xFFFFFFFF  }
0xb6: {  	_ =	strace $0x90000048  }
0xb7: {  	_ =	sfence  }
0xb8: {  	s30 =	sld [smem:$0x0];
	_ =	sdelay $0x2  }
0xb9: {  	s31 =	sshll.u32 s1, $0xD;
	s1 =	sshrl.u32 s1, $0x2  }
0xba: {  	s3 =	sand.u32 $0x4000, s31;
	s1 =	sadd.s32 s1, s30  }
0xbb: {  	s0 =	sor.u32 s3, s0;
	s1 =	sshll.u32 s1, $0x11  }
0xbc: {  	s0 =	sor.u32 s1, s0  }
0xbd: {  	s0 =	sadd.s32 $0x8F2B, s0  }
0xbe: {  	[sflag:s0] =	ssyncadd.remote.s32 $0x1  }
0xbf: {  	_ =	sfence.sel $0xFFFF  }
0xc0: {  	[dreg:$0x0] =	wrdreg $0xFFFFFFFF;
	(pc) =	sbr.abs _section_cstart, $3  }
0xc1: {  	[dreg:$0x1] =	wrdreg $0xFFFFFFFF  }
0xc2: {  	_ =	task.clear_ibuf [dreg:s8], $0x2FFFF;
	_ =	strace $0x9FFFFFFF  }
0xc3: {  	(tm) =	ssettm $0x7FFFFFFF  }
tec
execute0_lowered:
.L_overlay_start_1:
0x0: {  	(tag) =	ssettag $0x1  }
0x1: {  	s0 =	rddreg [dreg:$0x0]  }
0x2: {  	s1 =	rddreg [dreg:$0x1];
	s3 =	srdreg.scid  }
0x3: {  	s2 =	simm.s32 $0x0;
	s5 =	stileid.u32;
	s3 =	sand.u32 $0x1, s3  }
0x4: {  	s5 =	sshll.u32 s5, $0xD;
	[smem:$0x7FF] =	sst s2;
	s20 =	sadd.s32 $0x10, s1  }
0x5: {  	s30 =	sadd.s32 $0x20, s1;
	s4 =	ssub.s32 $0x2, s3;
	s3 =	sshll.u32 s3, $0xC  }
0x6: {  	s22 =	sadd.s32 $0x30, s1;
	s6 =	sshrl.u32 s4, $0x1;
	s7 =	sor.u32 s3, s5  }
0x7: {  	_ =	strace $0x80000047;
	s23 =	ssub.s32 s4, s6;
	s26 =	sshrl.u32 s7, $0x7  }
0x8: {  	s3 =	sshrl.u32 s7, $0x3;
	s10 =	sshrl.u32 s7, $0x1;
	s9 =	sor.u32 $0x8, s26  }
0x9: {  	s14 =	sor.u32 $0x10, s26;
	s3 =	sadd.s32 s0, s3;
	s19 =	sor.u32 $0x18, s26  }
0xa: {  	s7 =	sadd.s32 s1, s10;
	s8 =	sadd.s32 s10, s20;
	s31 =	smax.u32 s23, $0x1  }
0xb: {  	s28 =	sshll.u32 s9, $0x4;
	s29 =	sshll.u32 s14, $0x4;
	s6 =	sshll.u32 s19, $0x4  }
0xc: {  	s15 =	sshll.u32 s9, $0x6;
	s9 =	sadd.s32 s10, s30;
	s10 =	sadd.s32 s10, s22  }
0xd: {  	s18 =	sshll.u32 s14, $0x6;
	s24 =	sshll.u32 s19, $0x6;
	[dreg:$0x3] =	wrdreg s31  }
0xe: {  	s23 =	sadd.s32 $0x20, s3;
	s25 =	sadd.s32 $0x40, s3;
	s26 =	sadd.s32 $0x50, s3  }
0xf: {  	s11 =	sadd.s32 s1, s15;
	s12 =	sadd.s32 s15, s20;
	s13 =	sadd.s32 s15, s30  }
0x10: {  	s14 =	sadd.s32 s15, s22;
	s15 =	sadd.s32 s1, s18;
	s16 =	sadd.s32 s18, s20  }
0x11: {  	s17 =	sadd.s32 s18, s30;
	s18 =	sadd.s32 s18, s22;
	[dreg:$0x5] =	wrdreg s23  }
0x12: {  	s19 =	sadd.s32 s1, s24;
	s20 =	sadd.s32 s24, s20;
	[dreg:$0x7] =	wrdreg s25  }
0x13: {  	s21 =	sadd.s32 s24, s30;
	s1 =	sadd.s32 $0x10, s3;
	[dreg:$0x8] =	wrdreg s26  }
0x14: {  	s22 =	sadd.s32 s24, s22;
	s24 =	sadd.s32 $0x30, s3;
	[dreg:$0x4] =	wrdreg s1  }
0x15: {  	s4 =	sadd.s32 s0, s28;
	s28 =	sadd.s32 $0x60, s3;
	[dreg:$0x6] =	wrdreg s24  }
0x16: {  	s5 =	sadd.s32 s0, s29;
	s29 =	sadd.s32 $0x70, s3;
	[dreg:$0x9] =	wrdreg s28  }
0x17: {  	[dreg:$0xa] =	wrdreg s29;
	s30 =	sadd.s32 $0x10, s4  }
0x18: {  	s31 =	sadd.s32 $0x20, s4;
	[dreg:$0xb] =	wrdreg s30  }
0x19: {  	s1 =	sadd.s32 $0x30, s4;
	[dreg:$0xc] =	wrdreg s31  }
0x1a: {  	s23 =	sadd.s32 $0x40, s4;
	[dreg:$0xd] =	wrdreg s1  }
0x1b: {  	s24 =	sadd.s32 $0x50, s4;
	[dreg:$0xe] =	wrdreg s23  }
0x1c: {  	s25 =	sadd.s32 $0x60, s4;
	[dreg:$0xf] =	wrdreg s24  }
0x1d: {  	s26 =	sadd.s32 $0x70, s4;
	[dreg:$0x10] =	wrdreg s25  }
0x1e: {  	s28 =	sadd.s32 $0x10, s5;
	[dreg:$0x11] =	wrdreg s26  }
0x1f: {  	s29 =	sadd.s32 $0x20, s5;
	[dreg:$0x12] =	wrdreg s28  }
0x20: {  	[dreg:$0x13] =	wrdreg s29;
	s30 =	sadd.s32 $0x30, s5  }
0x21: {  	s31 =	sadd.s32 $0x40, s5;
	[dreg:$0x14] =	wrdreg s30  }
0x22: {  	s1 =	sadd.s32 $0x50, s5;
	[dreg:$0x15] =	wrdreg s31  }
0x23: {  	s23 =	sadd.s32 $0x60, s5;
	[dreg:$0x16] =	wrdreg s1  }
0x24: {  	s6 =	sadd.s32 s0, s6;
	s24 =	sadd.s32 $0x70, s5;
	[dreg:$0x17] =	wrdreg s23  }
0x25: {  	s25 =	sadd.s32 $0x10, s6;
	[dreg:$0x18] =	wrdreg s24  }
0x26: {  	s26 =	sadd.s32 $0x20, s6;
	[dreg:$0x19] =	wrdreg s25  }
0x27: {  	s28 =	sadd.s32 $0x30, s6;
	[dreg:$0x1a] =	wrdreg s26  }
0x28: {  	s29 =	sadd.s32 $0x40, s6;
	[dreg:$0x1b] =	wrdreg s28  }
0x29: {  	s0 =	sadd.s32 $0x70, s6;
	[dreg:$0x1c] =	wrdreg s29;
	s30 =	sadd.s32 $0x50, s6  }
0x2a: {  	s31 =	sadd.s32 $0x60, s6;
	s1 =	simm.s32 $0x1;
	[dreg:$0x1d] =	wrdreg s30  }
0x2b: {  	v0 =	vimm.f32 $0.0e+00;
	s23 =	simm.s32 $0x2;
	s24 =	simm.s32 $0x0;
	[dreg:$0x1e] =	wrdreg s31  }
.LBB2_1:
0x2c: {  	[tilespmem:s2], [sflag:$0x1] =	stream.linear.gather [hbm4b:s3+s2], $0x80, $0x38;
	[tilespmem:$0x5000] =	vst v63  }
0x2d: {  	s25 =	rddreg [dreg:$0x4];
	s26 =	simm.s32 $0x200  }
0x2e: {  	[tilespmem:s26], [sflag:$0x1] =	stream.linear.gather [hbm4b:s25+s2], $0x80, $0x38;
	[tilespmem:$0x5000] =	vst v63  }
0x2f: {  	s30 =	rddreg [dreg:$0x5];
	s31 =	simm.s32 $0x400  }
0x30: {  	[tilespmem:s31], [sflag:$0x1] =	stream.linear.gather [hbm4b:s30+s2], $0x80, $0x38;
	[tilespmem:$0x5000] =	vst v63  }
0x31: {  	s30 =	rddreg [dreg:$0x6];
	s31 =	simm.s32 $0x600  }
0x32: {  	[tilespmem:s31], [sflag:$0x1] =	stream.linear.gather [hbm4b:s30+s2], $0x80, $0x38;
	[tilespmem:$0x5000] =	vst v63  }
0x33: {  	s30 =	rddreg [dreg:$0x7];
	s31 =	simm.s32 $0x800  }
0x34: {  	[tilespmem:s31], [sflag:$0x1] =	stream.linear.gather [hbm4b:s30+s2], $0x80, $0x38;
	[tilespmem:$0x5000] =	vst v63  }
0x35: {  	s30 =	rddreg [dreg:$0x8];
	s31 =	simm.s32 $0xA00  }
0x36: {  	[tilespmem:s31], [sflag:$0x1] =	stream.linear.gather [hbm4b:s30+s2], $0x80, $0x38;
	[tilespmem:$0x5000] =	vst v63  }
0x37: {  	s30 =	rddreg [dreg:$0x9];
	s31 =	simm.s32 $0xC00  }
0x38: {  	[tilespmem:s31], [sflag:$0x1] =	stream.linear.gather [hbm4b:s30+s2], $0x80, $0x38;
	[tilespmem:$0x5000] =	vst v63  }
0x39: {  	s30 =	rddreg [dreg:$0xa];
	s31 =	simm.s32 $0xE00  }
0x3a: {  	[tilespmem:s31], [sflag:$0x1] =	stream.linear.gather [hbm4b:s30+s2], $0x80, $0x38;
	[tilespmem:$0x5000] =	vst v63  }
0x3b: {  	s26 =	simm.s32 $0x80  }
0x3c: {  	[tilespmem:s26], [sflag:$0x1] =	stream.linear.gather [hbm4b:s4+s2], $0x80, $0x38;
	[tilespmem:$0x5000] =	vst v63  }
0x3d: {  	s30 =	rddreg [dreg:$0xb];
	s31 =	simm.s32 $0x280  }
0x3e: {  	[tilespmem:s31], [sflag:$0x1] =	stream.linear.gather [hbm4b:s30+s2], $0x80, $0x38;
	[tilespmem:$0x5000] =	vst v63  }
0x3f: {  	s30 =	rddreg [dreg:$0xc];
	s31 =	simm.s32 $0x480  }
0x40: {  	[tilespmem:s31], [sflag:$0x1] =	stream.linear.gather [hbm4b:s30+s2], $0x80, $0x38;
	[tilespmem:$0x5000] =	vst v63  }
0x41: {  	s30 =	rddreg [dreg:$0xd];
	s31 =	simm.s32 $0x680  }
0x42: {  	[tilespmem:s31], [sflag:$0x1] =	stream.linear.gather [hbm4b:s30+s2], $0x80, $0x38;
	[tilespmem:$0x5000] =	vst v63  }
0x43: {  	s30 =	rddreg [dreg:$0xe];
	s31 =	simm.s32 $0x880  }
0x44: {  	[tilespmem:s31], [sflag:$0x1] =	stream.linear.gather [hbm4b:s30+s2], $0x80, $0x38;
	[tilespmem:$0x5000] =	vst v63  }
0x45: {  	s30 =	rddreg [dreg:$0xf];
	s31 =	simm.s32 $0xA80  }
0x46: {  	[tilespmem:s31], [sflag:$0x1] =	stream.linear.gather [hbm4b:s30+s2], $0x80, $0x38;
	[tilespmem:$0x5000] =	vst v63  }
0x47: {  	s30 =	rddreg [dreg:$0x10];
	s31 =	simm.s32 $0xC80  }
0x48: {  	[tilespmem:s31], [sflag:$0x1] =	stream.linear.gather [hbm4b:s30+s2], $0x80, $0x38;
	[tilespmem:$0x5000] =	vst v63  }
0x49: {  	s30 =	rddreg [dreg:$0x11];
	s31 =	simm.s32 $0xE80  }
0x4a: {  	[tilespmem:s31], [sflag:$0x1] =	stream.linear.gather [hbm4b:s30+s2], $0x80, $0x38;
	[tilespmem:$0x5000] =	vst v63  }
0x4b: {  	s26 =	simm.s32 $0x100  }
0x4c: {  	[tilespmem:s26], [sflag:$0x1] =	stream.linear.gather [hbm4b:s5+s2], $0x80, $0x38;
	[tilespmem:$0x5000] =	vst v63  }
0x4d: {  	s30 =	rddreg [dreg:$0x12];
	s31 =	simm.s32 $0x300  }
0x4e: {  	[tilespmem:s31], [sflag:$0x1] =	stream.linear.gather [hbm4b:s30+s2], $0x80, $0x38;
	[tilespmem:$0x5000] =	vst v63  }
0x4f: {  	s30 =	rddreg [dreg:$0x13];
	s31 =	simm.s32 $0x500  }
0x50: {  	[tilespmem:s31], [sflag:$0x1] =	stream.linear.gather [hbm4b:s30+s2], $0x80, $0x38;
	[tilespmem:$0x5000] =	vst v63  }
0x51: {  	s30 =	rddreg [dreg:$0x14];
	s31 =	simm.s32 $0x700  }
0x52: {  	[tilespmem:s31], [sflag:$0x1] =	stream.linear.gather [hbm4b:s30+s2], $0x80, $0x38;
	[tilespmem:$0x5000] =	vst v63  }
0x53: {  	s30 =	rddreg [dreg:$0x15];
	s31 =	simm.s32 $0x900  }
0x54: {  	[tilespmem:s31], [sflag:$0x1] =	stream.linear.gather [hbm4b:s30+s2], $0x80, $0x38;
	[tilespmem:$0x5000] =	vst v63  }
0x55: {  	s30 =	rddreg [dreg:$0x16];
	s31 =	simm.s32 $0xB00  }
0x56: {  	[tilespmem:s31], [sflag:$0x1] =	stream.linear.gather [hbm4b:s30+s2], $0x80, $0x38;
	[tilespmem:$0x5000] =	vst v63  }
0x57: {  	s30 =	rddreg [dreg:$0x17];
	s31 =	simm.s32 $0xD00  }
0x58: {  	[tilespmem:s31], [sflag:$0x1] =	stream.linear.gather [hbm4b:s30+s2], $0x80, $0x38;
	[tilespmem:$0x5000] =	vst v63  }
0x59: {  	s30 =	rddreg [dreg:$0x18];
	s31 =	simm.s32 $0xF00  }
0x5a: {  	[tilespmem:s31], [sflag:$0x1] =	stream.linear.gather [hbm4b:s30+s2], $0x80, $0x38;
	[tilespmem:$0x5000] =	vst v63  }
0x5b: {  	s26 =	simm.s32 $0x180  }
0x5c: {  	[tilespmem:s26], [sflag:$0x1] =	stream.linear.gather [hbm4b:s6+s2], $0x80, $0x38;
	[tilespmem:$0x5000] =	vst v63  }
0x5d: {  	s30 =	rddreg [dreg:$0x19];
	s31 =	simm.s32 $0x380  }
0x5e: {  	[tilespmem:s31], [sflag:$0x1] =	stream.linear.gather [hbm4b:s30+s2], $0x80, $0x38;
	[tilespmem:$0x5000] =	vst v63  }
0x5f: {  	s30 =	rddreg [dreg:$0x1a];
	s31 =	simm.s32 $0x580  }
0x60: {  	[tilespmem:s31], [sflag:$0x1] =	stream.linear.gather [hbm4b:s30+s2], $0x80, $0x38;
	[tilespmem:$0x5000] =	vst v63  }
0x61: {  	s30 =	rddreg [dreg:$0x1b];
	s31 =	simm.s32 $0x780  }
0x62: {  	[tilespmem:s31], [sflag:$0x1] =	stream.linear.gather [hbm4b:s30+s2], $0x80, $0x38;
	[tilespmem:$0x5000] =	vst v63  }
0x63: {  	s30 =	rddreg [dreg:$0x1c];
	s31 =	simm.s32 $0x980  }
0x64: {  	[tilespmem:s31], [sflag:$0x1] =	stream.linear.gather [hbm4b:s30+s2], $0x80, $0x38;
	[tilespmem:$0x5000] =	vst v63  }
0x65: {  	s30 =	rddreg [dreg:$0x1d];
	s31 =	simm.s32 $0xB80  }
0x66: {  	[tilespmem:s31], [sflag:$0x1] =	stream.linear.gather [hbm4b:s30+s2], $0x80, $0x38;
	[tilespmem:$0x5000] =	vst v63  }
0x67: {  	s26 =	rddreg [dreg:$0x1e];
	s30 =	simm.s32 $0xD80  }
0x68: {  	[tilespmem:s30], [sflag:$0x1] =	stream.linear.gather [hbm4b:s26+s2], $0x80, $0x38;
	[tilespmem:$0x5000] =	vst v63  }
0x69: {  	s31 =	simm.s32 $0xF80  }
0x6a: {  	[tilespmem:s31], [sflag:$0x1] =	stream.linear.gather [hbm4b:s0+s2], $0x80, $0x38;
	[tilespmem:$0x5000] =	vst v63  }
0x6b: {  	_ =	swait.ge [sflag:s1], $0x400  }
0x6c: {  	s26 =	sand.u32 $0x70, s2;
	s30 =	sand.u32 $0xE00, s2;
	[sflag:s1] =	ssyncset.done $0x0  }
0x6d: {  	s26 =	sor.u32 s26, s30;
	[sflag:s1] =	ssyncadd.s32 $0xFFFFFC00  }
0x6e: {  	v2 =	vld [tilespmem:s26+$0x0];
	_ =	sdelay $0x2  }
0x6f: {  	s28 =	simm.s32 $0x40;
	s31 =	simm.s32 $0x10  }
0x70: {  	s29 =	sand.u32 $0xE00, s28;
	s25 =	sand.u32 $0x70, s31  }
0x71: {  	s25 =	sor.u32 s25, s29;
	vm0 =	veq.s32 v2, $0x4  }
0x72: {  	v1 =	vld [tilespmem:s25+$0x0];
	vm1 =	veq.s32 v2, $0x0;
	vm15 =	veq.s32 v2, $0x3;
	v5 =	vsel vm0, $0x3E800000, v0  }
0x73: {  	vm2 =	veq.s32 v2, $0x1;
	vm3 =	veq.s32 v2, $0x2;
	v6 =	vsel vm15, $0x3F800000, v5  }
0x74: {  	s29 =	simm.s32 $0x20;
	v4 =	vsel vm1, $0x3F800000, v5;
	v3 =	vsel vm2, $0x3F800000, v5;
	v2 =	vsel vm3, $0x3F800000, v5;
	[tilespmem:s26+$0x1180] =	vst v6  }
.LBB2_2:
0x75: {  	s30 =	sand.u32 $0x70, s29;
	s28 =	sadd.s32 $0x40, s28;
	[tilespmem:s26+$0x1000] =	vst v4;
	p0 =	sne.s32 s29, $0x3F0  }
.Ltmp0:
0x76: {  	s29 =	sadd.s32 $0x10, s29;
	s31 =	sand.u32 $0xE00, s28;
	[tilespmem:s26+$0x1080] =	vst v3;
	(pc) =	sbr.rel @p0 .LBB2_2-.Ltmp0, $4  }
0x77: {  	vm0 =	veq.s32 v1, $0x4;
	vm1 =	veq.s32 v1, $0x0;
	vm2 =	veq.s32 v1, $0x1;
	[tilespmem:s26+$0x1100] =	vst v2;
	s26 =	smov.u32 s25;
	s25 =	sor.u32 s30, s31  }
0x78: {  	vm3 =	veq.s32 v1, $0x3;
	v2 =	vsel vm0, $0x3E800000, v0;
	vm0 =	veq.s32 v1, $0x2;
	v1 =	vld [tilespmem:s25+$0x0]  }
0x79: {  	v4 =	vsel vm1, $0x3F800000, v2;
	v3 =	vsel vm2, $0x3F800000, v2;
	v5 =	vsel vm3, $0x3F800000, v2  }
0x7a: {  	v2 =	vsel vm0, $0x3F800000, v2;
	[tilespmem:s26+$0x1180] =	vst v5  }
0x7b: {  	_ =	sdelay $0x1  }
0x7c: {  	[tilespmem:s26+$0x1000] =	vst v4;
	vm0 =	veq.s32 v1, $0x4  }
0x7d: {  	[tilespmem:s26+$0x1080] =	vst v3;
	vm10 =	veq.s32 v1, $0x3;
	v3 =	vsel vm0, $0x3E800000, v0  }
0x7e: {  	[tilespmem:s26+$0x1100] =	vst v2;
	vm1 =	veq.s32 v1, $0x0;
	v2 =	vsel vm10, $0x3F800000, v3  }
0x7f: {  	vm11 =	veq.s32 v1, $0x1;
	v4 =	vsel vm1, $0x3F800000, v3;
	[tilespmem:s25+$0x1180] =	vst v2  }
0x80: {  	vm12 =	veq.s32 v1, $0x2;
	v1 =	vsel vm11, $0x3F800000, v3;
	[tilespmem:s25+$0x1000] =	vst v4  }
0x81: {  	v2 =	vsel vm12, $0x3F800000, v3;
	[tilespmem:s25+$0x1080] =	vst v1  }
0x82: {  	s30 =	simm.s32 $0x1000;
	[tilespmem:s25+$0x1100] =	vst v2;
	s25 =	simm.s32 $0x0  }
0x83: {  	[hbm4b:s7+s25] =	stream.linear.scatter [tilespmem:s30], [sflag:$0x2], $0x80, $0x38;
	[tilespmem:$0x5000] =	vst v63  }
0x84: {  	s31 =	sadd.s32 $0x40, s7;
	s28 =	simm.s32 $0x1200  }
0x85: {  	[hbm4b:s31+s25] =	stream.linear.scatter [tilespmem:s28], [sflag:$0x2], $0x80, $0x38;
	[tilespmem:$0x5000] =	vst v63  }
0x86: {  	s30 =	sadd.s32 $0x80, s7;
	s28 =	simm.s32 $0x1400  }
0x87: {  	[hbm4b:s30+s25] =	stream.linear.scatter [tilespmem:s28], [sflag:$0x2], $0x80, $0x38;
	[tilespmem:$0x5000] =	vst v63  }
0x88: {  	s31 =	sadd.s32 $0xC0, s7;
	s28 =	simm.s32 $0x1600  }
0x89: {  	[hbm4b:s31+s25] =	stream.linear.scatter [tilespmem:s28], [sflag:$0x2], $0x80, $0x38;
	[tilespmem:$0x5000] =	vst v63  }
0x8a: {  	s30 =	sadd.s32 $0x100, s7;
	s28 =	simm.s32 $0x1800  }
0x8b: {  	[hbm4b:s30+s25] =	stream.linear.scatter [tilespmem:s28], [sflag:$0x2], $0x80, $0x38;
	[tilespmem:$0x5000] =	vst v63  }
0x8c: {  	s31 =	sadd.s32 $0x140, s7;
	s28 =	simm.s32 $0x1A00  }
0x8d: {  	[hbm4b:s31+s25] =	stream.linear.scatter [tilespmem:s28], [sflag:$0x2], $0x80, $0x38;
	[tilespmem:$0x5000] =	vst v63  }
0x8e: {  	s30 =	sadd.s32 $0x180, s7;
	s28 =	simm.s32 $0x1C00  }
0x8f: {  	[hbm4b:s30+s25] =	stream.linear.scatter [tilespmem:s28], [sflag:$0x2], $0x80, $0x38;
	[tilespmem:$0x5000] =	vst v63  }
0x90: {  	s31 =	sadd.s32 $0x1C0, s7;
	s28 =	simm.s32 $0x1E00  }
0x91: {  	[hbm4b:s31+s25] =	stream.linear.scatter [tilespmem:s28], [sflag:$0x2], $0x80, $0x38;
	[tilespmem:$0x5000] =	vst v63  }
0x92: {  	s30 =	simm.s32 $0x1080  }
0x93: {  	[hbm4b:s8+s25] =	stream.linear.scatter [tilespmem:s30], [sflag:$0x2], $0x80, $0x38;
	[tilespmem:$0x5000] =	vst v63  }
0x94: {  	s31 =	sadd.s32 $0x40, s8;
	s28 =	simm.s32 $0x1280  }
0x95: {  	[hbm4b:s31+s25] =	stream.linear.scatter [tilespmem:s28], [sflag:$0x2], $0x80, $0x38;
	[tilespmem:$0x5000] =	vst v63  }
0x96: {  	s30 =	sadd.s32 $0x80, s8;
	s28 =	simm.s32 $0x1480  }
0x97: {  	[hbm4b:s30+s25] =	stream.linear.scatter [tilespmem:s28], [sflag:$0x2], $0x80, $0x38;
	[tilespmem:$0x5000] =	vst v63  }
0x98: {  	s31 =	sadd.s32 $0xC0, s8;
	s28 =	simm.s32 $0x1680  }
0x99: {  	[hbm4b:s31+s25] =	stream.linear.scatter [tilespmem:s28], [sflag:$0x2], $0x80, $0x38;
	[tilespmem:$0x5000] =	vst v63  }
0x9a: {  	s30 =	sadd.s32 $0x100, s8;
	s28 =	simm.s32 $0x1880  }
0x9b: {  	[hbm4b:s30+s25] =	stream.linear.scatter [tilespmem:s28], [sflag:$0x2], $0x80, $0x38;
	[tilespmem:$0x5000] =	vst v63  }
0x9c: {  	s31 =	sadd.s32 $0x140, s8;
	s28 =	simm.s32 $0x1A80  }
0x9d: {  	[hbm4b:s31+s25] =	stream.linear.scatter [tilespmem:s28], [sflag:$0x2], $0x80, $0x38;
	[tilespmem:$0x5000] =	vst v63  }
0x9e: {  	s30 =	sadd.s32 $0x180, s8;
	s28 =	simm.s32 $0x1C80  }
0x9f: {  	[hbm4b:s30+s25] =	stream.linear.scatter [tilespmem:s28], [sflag:$0x2], $0x80, $0x38;
	[tilespmem:$0x5000] =	vst v63  }
0xa0: {  	s31 =	sadd.s32 $0x1C0, s8;
	s28 =	simm.s32 $0x1E80  }
0xa1: {  	[hbm4b:s31+s25] =	stream.linear.scatter [tilespmem:s28], [sflag:$0x2], $0x80, $0x38;
	[tilespmem:$0x5000] =	vst v63  }
0xa2: {  	s30 =	simm.s32 $0x1100  }
0xa3: {  	[hbm4b:s9+s25] =	stream.linear.scatter [tilespmem:s30], [sflag:$0x2], $0x80, $0x38;
	[tilespmem:$0x5000] =	vst v63  }
0xa4: {  	s31 =	sadd.s32 $0x40, s9;
	s28 =	simm.s32 $0x1300  }
0xa5: {  	[hbm4b:s31+s25] =	stream.linear.scatter [tilespmem:s28], [sflag:$0x2], $0x80, $0x38;
	[tilespmem:$0x5000] =	vst v63  }
0xa6: {  	s30 =	sadd.s32 $0x80, s9;
	s28 =	simm.s32 $0x1500  }
0xa7: {  	[hbm4b:s30+s25] =	stream.linear.scatter [tilespmem:s28], [sflag:$0x2], $0x80, $0x38;
	[tilespmem:$0x5000] =	vst v63  }
0xa8: {  	s31 =	sadd.s32 $0xC0, s9;
	s28 =	simm.s32 $0x1700  }
0xa9: {  	[hbm4b:s31+s25] =	stream.linear.scatter [tilespmem:s28], [sflag:$0x2], $0x80, $0x38;
	[tilespmem:$0x5000] =	vst v63  }
0xaa: {  	s30 =	sadd.s32 $0x100, s9;
	s28 =	simm.s32 $0x1900  }
0xab: {  	[hbm4b:s30+s25] =	stream.linear.scatter [tilespmem:s28], [sflag:$0x2], $0x80, $0x38;
	[tilespmem:$0x5000] =	vst v63  }
0xac: {  	s31 =	sadd.s32 $0x140, s9;
	s28 =	simm.s32 $0x1B00  }
0xad: {  	[hbm4b:s31+s25] =	stream.linear.scatter [tilespmem:s28], [sflag:$0x2], $0x80, $0x38;
	[tilespmem:$0x5000] =	vst v63  }
0xae: {  	s30 =	sadd.s32 $0x180, s9;
	s28 =	simm.s32 $0x1D00  }
0xaf: {  	[hbm4b:s30+s25] =	stream.linear.scatter [tilespmem:s28], [sflag:$0x2], $0x80, $0x38;
	[tilespmem:$0x5000] =	vst v63  }
0xb0: {  	s31 =	sadd.s32 $0x1C0, s9;
	s28 =	simm.s32 $0x1F00  }
0xb1: {  	[hbm4b:s31+s25] =	stream.linear.scatter [tilespmem:s28], [sflag:$0x2], $0x80, $0x38;
	[tilespmem:$0x5000] =	vst v63  }
0xb2: {  	s30 =	simm.s32 $0x1180  }
0xb3: {  	[hbm4b:s10+s25] =	stream.linear.scatter [tilespmem:s30], [sflag:$0x2], $0x80, $0x38;
	[tilespmem:$0x5000] =	vst v63  }
0xb4: {  	s31 =	sadd.s32 $0x40, s10;
	s28 =	simm.s32 $0x1380  }
0xb5: {  	[hbm4b:s31+s25] =	stream.linear.scatter [tilespmem:s28], [sflag:$0x2], $0x80, $0x38;
	[tilespmem:$0x5000] =	vst v63  }
0xb6: {  	s30 =	sadd.s32 $0x80, s10;
	s28 =	simm.s32 $0x1580  }
0xb7: {  	[hbm4b:s30+s25] =	stream.linear.scatter [tilespmem:s28], [sflag:$0x2], $0x80, $0x38;
	[tilespmem:$0x5000] =	vst v63  }
0xb8: {  	s31 =	sadd.s32 $0xC0, s10;
	s28 =	simm.s32 $0x1780  }
0xb9: {  	[hbm4b:s31+s25] =	stream.linear.scatter [tilespmem:s28], [sflag:$0x2], $0x80, $0x38;
	[tilespmem:$0x5000] =	vst v63  }
0xba: {  	s30 =	sadd.s32 $0x100, s10;
	s28 =	simm.s32 $0x1980  }
0xbb: {  	[hbm4b:s30+s25] =	stream.linear.scatter [tilespmem:s28], [sflag:$0x2], $0x80, $0x38;
	[tilespmem:$0x5000] =	vst v63  }
0xbc: {  	s31 =	sadd.s32 $0x140, s10;
	s28 =	simm.s32 $0x1B80  }
0xbd: {  	[hbm4b:s31+s25] =	stream.linear.scatter [tilespmem:s28], [sflag:$0x2], $0x80, $0x38;
	[tilespmem:$0x5000] =	vst v63  }
0xbe: {  	s30 =	sadd.s32 $0x180, s10;
	s28 =	simm.s32 $0x1D80  }
0xbf: {  	[hbm4b:s30+s25] =	stream.linear.scatter [tilespmem:s28], [sflag:$0x2], $0x80, $0x38;
	[tilespmem:$0x5000] =	vst v63  }
0xc0: {  	s31 =	sadd.s32 $0x1C0, s10;
	s28 =	simm.s32 $0x1F80  }
0xc1: {  	[hbm4b:s31+s25] =	stream.linear.scatter [tilespmem:s28], [sflag:$0x2], $0x80, $0x38;
	[tilespmem:$0x5000] =	vst v63  }
0xc2: {  	_ =	swait.ge [sflag:s1], $0x400  }
0xc3: {  	s30 =	sand.u32 $0x70, s25;
	s25 =	sand.u32 $0xE00, s25;
	[sflag:s1] =	ssyncset.done $0x0  }
0xc4: {  	s26 =	sor.u32 s30, s25;
	[sflag:s1] =	ssyncadd.s32 $0xFFFFFC00  }
0xc5: {  	v2 =	vld [tilespmem:s26+$0x80];
	_ =	sdelay $0x2  }
0xc6: {  	s31 =	simm.s32 $0x10;
	s28 =	simm.s32 $0x40  }
0xc7: {  	s25 =	sand.u32 $0x70, s31;
	s29 =	sand.u32 $0xE00, s28  }
0xc8: {  	s25 =	sor.u32 s25, s29;
	vm13 =	veq.s32 v2, $0x4  }
0xc9: {  	v1 =	vld [tilespmem:s25+$0x80];
	vm14 =	veq.s32 v2, $0x0;
	vm15 =	veq.s32 v2, $0x3;
	v5 =	vsel vm13, $0x3E800000, v0  }
0xca: {  	vm2 =	veq.s32 v2, $0x1;
	vm3 =	veq.s32 v2, $0x2;
	v6 =	vsel vm15, $0x3F800000, v5  }
0xcb: {  	s29 =	simm.s32 $0x20;
	v4 =	vsel vm14, $0x3F800000, v5;
	v3 =	vsel vm2, $0x3F800000, v5;
	v2 =	vsel vm3, $0x3F800000, v5;
	[tilespmem:s26+$0x2180] =	vst v6  }
.LBB2_4:
0xcc: {  	s30 =	sand.u32 $0x70, s29;
	s28 =	sadd.s32 $0x40, s28;
	[tilespmem:s26+$0x2000] =	vst v4;
	p0 =	sne.s32 s29, $0x3F0  }
.Ltmp1:
0xcd: {  	s29 =	sadd.s32 $0x10, s29;
	s31 =	sand.u32 $0xE00, s28;
	[tilespmem:s26+$0x2080] =	vst v3;
	(pc) =	sbr.rel @p0 .LBB2_4-.Ltmp1, $4  }
0xce: {  	vm0 =	veq.s32 v1, $0x4;
	vm1 =	veq.s32 v1, $0x0;
	vm2 =	veq.s32 v1, $0x1;
	[tilespmem:s26+$0x2100] =	vst v2;
	s26 =	smov.u32 s25;
	s25 =	sor.u32 s30, s31  }
0xcf: {  	vm3 =	veq.s32 v1, $0x3;
	v2 =	vsel vm0, $0x3E800000, v0;
	vm0 =	veq.s32 v1, $0x2;
	v1 =	vld [tilespmem:s25+$0x80]  }
0xd0: {  	v4 =	vsel vm1, $0x3F800000, v2;
	v3 =	vsel vm2, $0x3F800000, v2;
	v5 =	vsel vm3, $0x3F800000, v2  }
0xd1: {  	v2 =	vsel vm0, $0x3F800000, v2;
	[tilespmem:s26+$0x2180] =	vst v5  }
0xd2: {  	_ =	sdelay $0x1  }
0xd3: {  	[tilespmem:s26+$0x2000] =	vst v4;
	vm0 =	veq.s32 v1, $0x4  }
0xd4: {  	[tilespmem:s26+$0x2080] =	vst v3;
	vm10 =	veq.s32 v1, $0x3;
	v3 =	vsel vm0, $0x3E800000, v0  }
0xd5: {  	[tilespmem:s26+$0x2100] =	vst v2;
	vm1 =	veq.s32 v1, $0x0;
	v2 =	vsel vm10, $0x3F800000, v3  }
0xd6: {  	vm11 =	veq.s32 v1, $0x1;
	v4 =	vsel vm1, $0x3F800000, v3;
	[tilespmem:s25+$0x2180] =	vst v2  }
0xd7: {  	vm12 =	veq.s32 v1, $0x2;
	v1 =	vsel vm11, $0x3F800000, v3;
	[tilespmem:s25+$0x2000] =	vst v4  }
0xd8: {  	v2 =	vsel vm12, $0x3F800000, v3;
	[tilespmem:s25+$0x2080] =	vst v1  }
0xd9: {  	s30 =	simm.s32 $0x2000;
	[tilespmem:s25+$0x2100] =	vst v2;
	s25 =	simm.s32 $0x0  }
0xda: {  	[hbm4b:s11+s25] =	stream.linear.scatter [tilespmem:s30], [sflag:$0x2], $0x80, $0x38;
	[tilespmem:$0x5000] =	vst v63  }
0xdb: {  	s31 =	sadd.s32 $0x40, s11;
	s28 =	simm.s32 $0x2200  }
0xdc: {  	[hbm4b:s31+s25] =	stream.linear.scatter [tilespmem:s28], [sflag:$0x2], $0x80, $0x38;
	[tilespmem:$0x5000] =	vst v63  }
0xdd: {  	s30 =	sadd.s32 $0x80, s11;
	s28 =	simm.s32 $0x2400  }
0xde: {  	[hbm4b:s30+s25] =	stream.linear.scatter [tilespmem:s28], [sflag:$0x2], $0x80, $0x38;
	[tilespmem:$0x5000] =	vst v63  }
0xdf: {  	s31 =	sadd.s32 $0xC0, s11;
	s28 =	simm.s32 $0x2600  }
0xe0: {  	[hbm4b:s31+s25] =	stream.linear.scatter [tilespmem:s28], [sflag:$0x2], $0x80, $0x38;
	[tilespmem:$0x5000] =	vst v63  }
0xe1: {  	s30 =	sadd.s32 $0x100, s11;
	s28 =	simm.s32 $0x2800  }
0xe2: {  	[hbm4b:s30+s25] =	stream.linear.scatter [tilespmem:s28], [sflag:$0x2], $0x80, $0x38;
	[tilespmem:$0x5000] =	vst v63  }
0xe3: {  	s31 =	sadd.s32 $0x140, s11;
	s28 =	simm.s32 $0x2A00  }
0xe4: {  	[hbm4b:s31+s25] =	stream.linear.scatter [tilespmem:s28], [sflag:$0x2], $0x80, $0x38;
	[tilespmem:$0x5000] =	vst v63  }
0xe5: {  	s30 =	sadd.s32 $0x180, s11;
	s28 =	simm.s32 $0x2C00  }
0xe6: {  	[hbm4b:s30+s25] =	stream.linear.scatter [tilespmem:s28], [sflag:$0x2], $0x80, $0x38;
	[tilespmem:$0x5000] =	vst v63  }
0xe7: {  	s31 =	sadd.s32 $0x1C0, s11;
	s28 =	simm.s32 $0x2E00  }
0xe8: {  	[hbm4b:s31+s25] =	stream.linear.scatter [tilespmem:s28], [sflag:$0x2], $0x80, $0x38;
	[tilespmem:$0x5000] =	vst v63  }
0xe9: {  	s30 =	simm.s32 $0x2080  }
0xea: {  	[hbm4b:s12+s25] =	stream.linear.scatter [tilespmem:s30], [sflag:$0x2], $0x80, $0x38;
	[tilespmem:$0x5000] =	vst v63  }
0xeb: {  	s31 =	sadd.s32 $0x40, s12;
	s28 =	simm.s32 $0x2280  }
0xec: {  	[hbm4b:s31+s25] =	stream.linear.scatter [tilespmem:s28], [sflag:$0x2], $0x80, $0x38;
	[tilespmem:$0x5000] =	vst v63  }
0xed: {  	s30 =	sadd.s32 $0x80, s12;
	s28 =	simm.s32 $0x2480  }
0xee: {  	[hbm4b:s30+s25] =	stream.linear.scatter [tilespmem:s28], [sflag:$0x2], $0x80, $0x38;
	[tilespmem:$0x5000] =	vst v63  }
0xef: {  	s31 =	sadd.s32 $0xC0, s12;
	s28 =	simm.s32 $0x2680  }
0xf0: {  	[hbm4b:s31+s25] =	stream.linear.scatter [tilespmem:s28], [sflag:$0x2], $0x80, $0x38;
	[tilespmem:$0x5000] =	vst v63  }
0xf1: {  	s30 =	sadd.s32 $0x100, s12;
	s28 =	simm.s32 $0x2880  }
0xf2: {  	[hbm4b:s30+s25] =	stream.linear.scatter [tilespmem:s28], [sflag:$0x2], $0x80, $0x38;
	[tilespmem:$0x5000] =	vst v63  }
0xf3: {  	s31 =	sadd.s32 $0x140, s12;
	s28 =	simm.s32 $0x2A80  }
0xf4: {  	[hbm4b:s31+s25] =	stream.linear.scatter [tilespmem:s28], [sflag:$0x2], $0x80, $0x38;
	[tilespmem:$0x5000] =	vst v63  }
0xf5: {  	s30 =	sadd.s32 $0x180, s12;
	s28 =	simm.s32 $0x2C80  }
0xf6: {  	[hbm4b:s30+s25] =	stream.linear.scatter [tilespmem:s28], [sflag:$0x2], $0x80, $0x38;
	[tilespmem:$0x5000] =	vst v63  }
0xf7: {  	s31 =	sadd.s32 $0x1C0, s12;
	s28 =	simm.s32 $0x2E80  }
0xf8: {  	[hbm4b:s31+s25] =	stream.linear.scatter [tilespmem:s28], [sflag:$0x2], $0x80, $0x38;
	[tilespmem:$0x5000] =	vst v63  }
0xf9: {  	s30 =	simm.s32 $0x2100  }
0xfa: {  	[hbm4b:s13+s25] =	stream.linear.scatter [tilespmem:s30], [sflag:$0x2], $0x80, $0x38;
	[tilespmem:$0x5000] =	vst v63  }
0xfb: {  	s31 =	sadd.s32 $0x40, s13;
	s28 =	simm.s32 $0x2300  }
0xfc: {  	[hbm4b:s31+s25] =	stream.linear.scatter [tilespmem:s28], [sflag:$0x2], $0x80, $0x38;
	[tilespmem:$0x5000] =	vst v63  }
0xfd: {  	s30 =	sadd.s32 $0x80, s13;
	s28 =	simm.s32 $0x2500  }
0xfe: {  	[hbm4b:s30+s25] =	stream.linear.scatter [tilespmem:s28], [sflag:$0x2], $0x80, $0x38;
	[tilespmem:$0x5000] =	vst v63  }
0xff: {  	s31 =	sadd.s32 $0xC0, s13;
	s28 =	simm.s32 $0x2700  }
0x100: {  	[hbm4b:s31+s25] =	stream.linear.scatter [tilespmem:s28], [sflag:$0x2], $0x80, $0x38;
	[tilespmem:$0x5000] =	vst v63  }
0x101: {  	s30 =	sadd.s32 $0x100, s13;
	s28 =	simm.s32 $0x2900  }
0x102: {  	[hbm4b:s30+s25] =	stream.linear.scatter [tilespmem:s28], [sflag:$0x2], $0x80, $0x38;
	[tilespmem:$0x5000] =	vst v63  }
0x103: {  	s31 =	sadd.s32 $0x140, s13;
	s28 =	simm.s32 $0x2B00  }
0x104: {  	[hbm4b:s31+s25] =	stream.linear.scatter [tilespmem:s28], [sflag:$0x2], $0x80, $0x38;
	[tilespmem:$0x5000] =	vst v63  }
0x105: {  	s30 =	sadd.s32 $0x180, s13;
	s28 =	simm.s32 $0x2D00  }
0x106: {  	[hbm4b:s30+s25] =	stream.linear.scatter [tilespmem:s28], [sflag:$0x2], $0x80, $0x38;
	[tilespmem:$0x5000] =	vst v63  }
0x107: {  	s31 =	sadd.s32 $0x1C0, s13;
	s28 =	simm.s32 $0x2F00  }
0x108: {  	[hbm4b:s31+s25] =	stream.linear.scatter [tilespmem:s28], [sflag:$0x2], $0x80, $0x38;
	[tilespmem:$0x5000] =	vst v63  }
0x109: {  	s30 =	simm.s32 $0x2180  }
0x10a: {  	[hbm4b:s14+s25] =	stream.linear.scatter [tilespmem:s30], [sflag:$0x2], $0x80, $0x38;
	[tilespmem:$0x5000] =	vst v63  }
0x10b: {  	s31 =	sadd.s32 $0x40, s14;
	s28 =	simm.s32 $0x2380  }
0x10c: {  	[hbm4b:s31+s25] =	stream.linear.scatter [tilespmem:s28], [sflag:$0x2], $0x80, $0x38;
	[tilespmem:$0x5000] =	vst v63  }
0x10d: {  	s30 =	sadd.s32 $0x80, s14;
	s28 =	simm.s32 $0x2580  }
0x10e: {  	[hbm4b:s30+s25] =	stream.linear.scatter [tilespmem:s28], [sflag:$0x2], $0x80, $0x38;
	[tilespmem:$0x5000] =	vst v63  }
0x10f: {  	s31 =	sadd.s32 $0xC0, s14;
	s28 =	simm.s32 $0x2780  }
0x110: {  	[hbm4b:s31+s25] =	stream.linear.scatter [tilespmem:s28], [sflag:$0x2], $0x80, $0x38;
	[tilespmem:$0x5000] =	vst v63  }
0x111: {  	s30 =	sadd.s32 $0x100, s14;
	s28 =	simm.s32 $0x2980  }
0x112: {  	[hbm4b:s30+s25] =	stream.linear.scatter [tilespmem:s28], [sflag:$0x2], $0x80, $0x38;
	[tilespmem:$0x5000] =	vst v63  }
0x113: {  	s31 =	sadd.s32 $0x140, s14;
	s28 =	simm.s32 $0x2B80  }
0x114: {  	[hbm4b:s31+s25] =	stream.linear.scatter [tilespmem:s28], [sflag:$0x2], $0x80, $0x38;
	[tilespmem:$0x5000] =	vst v63  }
0x115: {  	s30 =	sadd.s32 $0x180, s14;
	s28 =	simm.s32 $0x2D80  }
0x116: {  	[hbm4b:s30+s25] =	stream.linear.scatter [tilespmem:s28], [sflag:$0x2], $0x80, $0x38;
	[tilespmem:$0x5000] =	vst v63  }
0x117: {  	s31 =	sadd.s32 $0x1C0, s14;
	s28 =	simm.s32 $0x2F80  }
0x118: {  	[hbm4b:s31+s25] =	stream.linear.scatter [tilespmem:s28], [sflag:$0x2], $0x80, $0x38;
	[tilespmem:$0x5000] =	vst v63  }
0x119: {  	_ =	swait.ge [sflag:s1], $0x400  }
0x11a: {  	s30 =	sand.u32 $0x70, s25;
	s25 =	sand.u32 $0xE00, s25;
	[sflag:s1] =	ssyncset.done $0x0  }
0x11b: {  	s26 =	sor.u32 s30, s25;
	[sflag:s1] =	ssyncadd.s32 $0xFFFFFC00  }
0x11c: {  	v2 =	vld [tilespmem:s26+$0x100];
	_ =	sdelay $0x2  }
0x11d: {  	s31 =	simm.s32 $0x10;
	s28 =	simm.s32 $0x40  }
0x11e: {  	s25 =	sand.u32 $0x70, s31;
	s29 =	sand.u32 $0xE00, s28  }
0x11f: {  	s25 =	sor.u32 s25, s29;
	vm13 =	veq.s32 v2, $0x4  }
0x120: {  	v1 =	vld [tilespmem:s25+$0x100];
	vm14 =	veq.s32 v2, $0x0;
	vm15 =	veq.s32 v2, $0x3;
	v5 =	vsel vm13, $0x3E800000, v0  }
0x121: {  	vm2 =	veq.s32 v2, $0x1;
	vm3 =	veq.s32 v2, $0x2;
	v6 =	vsel vm15, $0x3F800000, v5  }
0x122: {  	s29 =	simm.s32 $0x20;
	v4 =	vsel vm14, $0x3F800000, v5;
	v3 =	vsel vm2, $0x3F800000, v5;
	v2 =	vsel vm3, $0x3F800000, v5;
	[tilespmem:s26+$0x3180] =	vst v6  }
.LBB2_6:
0x123: {  	s30 =	sand.u32 $0x70, s29;
	s28 =	sadd.s32 $0x40, s28;
	[tilespmem:s26+$0x3000] =	vst v4;
	p0 =	sne.s32 s29, $0x3F0  }
.Ltmp2:
0x124: {  	s29 =	sadd.s32 $0x10, s29;
	s31 =	sand.u32 $0xE00, s28;
	[tilespmem:s26+$0x3080] =	vst v3;
	(pc) =	sbr.rel @p0 .LBB2_6-.Ltmp2, $4  }
0x125: {  	vm0 =	veq.s32 v1, $0x4;
	vm1 =	veq.s32 v1, $0x0;
	vm2 =	veq.s32 v1, $0x1;
	[tilespmem:s26+$0x3100] =	vst v2;
	s26 =	smov.u32 s25;
	s25 =	sor.u32 s30, s31  }
0x126: {  	vm3 =	veq.s32 v1, $0x3;
	v2 =	vsel vm0, $0x3E800000, v0;
	vm0 =	veq.s32 v1, $0x2;
	v1 =	vld [tilespmem:s25+$0x100]  }
0x127: {  	v4 =	vsel vm1, $0x3F800000, v2;
	v3 =	vsel vm2, $0x3F800000, v2;
	v5 =	vsel vm3, $0x3F800000, v2  }
0x128: {  	v2 =	vsel vm0, $0x3F800000, v2;
	[tilespmem:s26+$0x3180] =	vst v5  }
0x129: {  	_ =	sdelay $0x1  }
0x12a: {  	[tilespmem:s26+$0x3000] =	vst v4;
	vm0 =	veq.s32 v1, $0x4  }
0x12b: {  	[tilespmem:s26+$0x3080] =	vst v3;
	vm10 =	veq.s32 v1, $0x3;
	v3 =	vsel vm0, $0x3E800000, v0  }
0x12c: {  	[tilespmem:s26+$0x3100] =	vst v2;
	vm1 =	veq.s32 v1, $0x0;
	v2 =	vsel vm10, $0x3F800000, v3  }
0x12d: {  	vm11 =	veq.s32 v1, $0x1;
	v4 =	vsel vm1, $0x3F800000, v3;
	[tilespmem:s25+$0x3180] =	vst v2  }
0x12e: {  	vm12 =	veq.s32 v1, $0x2;
	v1 =	vsel vm11, $0x3F800000, v3;
	[tilespmem:s25+$0x3000] =	vst v4  }
0x12f: {  	v2 =	vsel vm12, $0x3F800000, v3;
	[tilespmem:s25+$0x3080] =	vst v1  }
0x130: {  	s30 =	simm.s32 $0x3000;
	[tilespmem:s25+$0x3100] =	vst v2;
	s25 =	simm.s32 $0x0  }
0x131: {  	[hbm4b:s15+s25] =	stream.linear.scatter [tilespmem:s30], [sflag:$0x2], $0x80, $0x38;
	[tilespmem:$0x5000] =	vst v63  }
0x132: {  	s31 =	sadd.s32 $0x40, s15;
	s28 =	simm.s32 $0x3200  }
0x133: {  	[hbm4b:s31+s25] =	stream.linear.scatter [tilespmem:s28], [sflag:$0x2], $0x80, $0x38;
	[tilespmem:$0x5000] =	vst v63  }
0x134: {  	s30 =	sadd.s32 $0x80, s15;
	s28 =	simm.s32 $0x3400  }
0x135: {  	[hbm4b:s30+s25] =	stream.linear.scatter [tilespmem:s28], [sflag:$0x2], $0x80, $0x38;
	[tilespmem:$0x5000] =	vst v63  }
0x136: {  	s31 =	sadd.s32 $0xC0, s15;
	s28 =	simm.s32 $0x3600  }
0x137: {  	[hbm4b:s31+s25] =	stream.linear.scatter [tilespmem:s28], [sflag:$0x2], $0x80, $0x38;
	[tilespmem:$0x5000] =	vst v63  }
0x138: {  	s30 =	sadd.s32 $0x100, s15;
	s28 =	simm.s32 $0x3800  }
0x139: {  	[hbm4b:s30+s25] =	stream.linear.scatter [tilespmem:s28], [sflag:$0x2], $0x80, $0x38;
	[tilespmem:$0x5000] =	vst v63  }
0x13a: {  	s31 =	sadd.s32 $0x140, s15;
	s28 =	simm.s32 $0x3A00  }
0x13b: {  	[hbm4b:s31+s25] =	stream.linear.scatter [tilespmem:s28], [sflag:$0x2], $0x80, $0x38;
	[tilespmem:$0x5000] =	vst v63  }
0x13c: {  	s30 =	sadd.s32 $0x180, s15;
	s28 =	simm.s32 $0x3C00  }
0x13d: {  	[hbm4b:s30+s25] =	stream.linear.scatter [tilespmem:s28], [sflag:$0x2], $0x80, $0x38;
	[tilespmem:$0x5000] =	vst v63  }
0x13e: {  	s31 =	sadd.s32 $0x1C0, s15;
	s28 =	simm.s32 $0x3E00  }
0x13f: {  	[hbm4b:s31+s25] =	stream.linear.scatter [tilespmem:s28], [sflag:$0x2], $0x80, $0x38;
	[tilespmem:$0x5000] =	vst v63  }
0x140: {  	s30 =	simm.s32 $0x3080  }
0x141: {  	[hbm4b:s16+s25] =	stream.linear.scatter [tilespmem:s30], [sflag:$0x2], $0x80, $0x38;
	[tilespmem:$0x5000] =	vst v63  }
0x142: {  	s31 =	sadd.s32 $0x40, s16;
	s28 =	simm.s32 $0x3280  }
0x143: {  	[hbm4b:s31+s25] =	stream.linear.scatter [tilespmem:s28], [sflag:$0x2], $0x80, $0x38;
	[tilespmem:$0x5000] =	vst v63  }
0x144: {  	s30 =	sadd.s32 $0x80, s16;
	s28 =	simm.s32 $0x3480  }
0x145: {  	[hbm4b:s30+s25] =	stream.linear.scatter [tilespmem:s28], [sflag:$0x2], $0x80, $0x38;
	[tilespmem:$0x5000] =	vst v63  }
0x146: {  	s31 =	sadd.s32 $0xC0, s16;
	s28 =	simm.s32 $0x3680  }
0x147: {  	[hbm4b:s31+s25] =	stream.linear.scatter [tilespmem:s28], [sflag:$0x2], $0x80, $0x38;
	[tilespmem:$0x5000] =	vst v63  }
0x148: {  	s30 =	sadd.s32 $0x100, s16;
	s28 =	simm.s32 $0x3880  }
0x149: {  	[hbm4b:s30+s25] =	stream.linear.scatter [tilespmem:s28], [sflag:$0x2], $0x80, $0x38;
	[tilespmem:$0x5000] =	vst v63  }
0x14a: {  	s31 =	sadd.s32 $0x140, s16;
	s28 =	simm.s32 $0x3A80  }
0x14b: {  	[hbm4b:s31+s25] =	stream.linear.scatter [tilespmem:s28], [sflag:$0x2], $0x80, $0x38;
	[tilespmem:$0x5000] =	vst v63  }
0x14c: {  	s30 =	sadd.s32 $0x180, s16;
	s28 =	simm.s32 $0x3C80  }
0x14d: {  	[hbm4b:s30+s25] =	stream.linear.scatter [tilespmem:s28], [sflag:$0x2], $0x80, $0x38;
	[tilespmem:$0x5000] =	vst v63  }
0x14e: {  	s31 =	sadd.s32 $0x1C0, s16;
	s28 =	simm.s32 $0x3E80  }
0x14f: {  	[hbm4b:s31+s25] =	stream.linear.scatter [tilespmem:s28], [sflag:$0x2], $0x80, $0x38;
	[tilespmem:$0x5000] =	vst v63  }
0x150: {  	s30 =	simm.s32 $0x3100  }
0x151: {  	[hbm4b:s17+s25] =	stream.linear.scatter [tilespmem:s30], [sflag:$0x2], $0x80, $0x38;
	[tilespmem:$0x5000] =	vst v63  }
0x152: {  	s31 =	sadd.s32 $0x40, s17;
	s28 =	simm.s32 $0x3300  }
0x153: {  	[hbm4b:s31+s25] =	stream.linear.scatter [tilespmem:s28], [sflag:$0x2], $0x80, $0x38;
	[tilespmem:$0x5000] =	vst v63  }
0x154: {  	s30 =	sadd.s32 $0x80, s17;
	s28 =	simm.s32 $0x3500  }
0x155: {  	[hbm4b:s30+s25] =	stream.linear.scatter [tilespmem:s28], [sflag:$0x2], $0x80, $0x38;
	[tilespmem:$0x5000] =	vst v63  }
0x156: {  	s31 =	sadd.s32 $0xC0, s17;
	s28 =	simm.s32 $0x3700  }
0x157: {  	[hbm4b:s31+s25] =	stream.linear.scatter [tilespmem:s28], [sflag:$0x2], $0x80, $0x38;
	[tilespmem:$0x5000] =	vst v63  }
0x158: {  	s30 =	sadd.s32 $0x100, s17;
	s28 =	simm.s32 $0x3900  }
0x159: {  	[hbm4b:s30+s25] =	stream.linear.scatter [tilespmem:s28], [sflag:$0x2], $0x80, $0x38;
	[tilespmem:$0x5000] =	vst v63  }
0x15a: {  	s31 =	sadd.s32 $0x140, s17;
	s28 =	simm.s32 $0x3B00  }
0x15b: {  	[hbm4b:s31+s25] =	stream.linear.scatter [tilespmem:s28], [sflag:$0x2], $0x80, $0x38;
	[tilespmem:$0x5000] =	vst v63  }
0x15c: {  	s30 =	sadd.s32 $0x180, s17;
	s28 =	simm.s32 $0x3D00  }
0x15d: {  	[hbm4b:s30+s25] =	stream.linear.scatter [tilespmem:s28], [sflag:$0x2], $0x80, $0x38;
	[tilespmem:$0x5000] =	vst v63  }
0x15e: {  	s31 =	sadd.s32 $0x1C0, s17;
	s28 =	simm.s32 $0x3F00  }
0x15f: {  	[hbm4b:s31+s25] =	stream.linear.scatter [tilespmem:s28], [sflag:$0x2], $0x80, $0x38;
	[tilespmem:$0x5000] =	vst v63  }
0x160: {  	s30 =	simm.s32 $0x3180  }
0x161: {  	[hbm4b:s18+s25] =	stream.linear.scatter [tilespmem:s30], [sflag:$0x2], $0x80, $0x38;
	[tilespmem:$0x5000] =	vst v63  }
0x162: {  	s31 =	sadd.s32 $0x40, s18;
	s28 =	simm.s32 $0x3380  }
0x163: {  	[hbm4b:s31+s25] =	stream.linear.scatter [tilespmem:s28], [sflag:$0x2], $0x80, $0x38;
	[tilespmem:$0x5000] =	vst v63  }
0x164: {  	s30 =	sadd.s32 $0x80, s18;
	s28 =	simm.s32 $0x3580  }
0x165: {  	[hbm4b:s30+s25] =	stream.linear.scatter [tilespmem:s28], [sflag:$0x2], $0x80, $0x38;
	[tilespmem:$0x5000] =	vst v63  }
0x166: {  	s31 =	sadd.s32 $0xC0, s18;
	s28 =	simm.s32 $0x3780  }
0x167: {  	[hbm4b:s31+s25] =	stream.linear.scatter [tilespmem:s28], [sflag:$0x2], $0x80, $0x38;
	[tilespmem:$0x5000] =	vst v63  }
0x168: {  	s30 =	sadd.s32 $0x100, s18;
	s28 =	simm.s32 $0x3980  }
0x169: {  	[hbm4b:s30+s25] =	stream.linear.scatter [tilespmem:s28], [sflag:$0x2], $0x80, $0x38;
	[tilespmem:$0x5000] =	vst v63  }
0x16a: {  	s31 =	sadd.s32 $0x140, s18;
	s28 =	simm.s32 $0x3B80  }
0x16b: {  	[hbm4b:s31+s25] =	stream.linear.scatter [tilespmem:s28], [sflag:$0x2], $0x80, $0x38;
	[tilespmem:$0x5000] =	vst v63  }
0x16c: {  	s30 =	sadd.s32 $0x180, s18;
	s28 =	simm.s32 $0x3D80  }
0x16d: {  	[hbm4b:s30+s25] =	stream.linear.scatter [tilespmem:s28], [sflag:$0x2], $0x80, $0x38;
	[tilespmem:$0x5000] =	vst v63  }
0x16e: {  	s31 =	sadd.s32 $0x1C0, s18;
	s28 =	simm.s32 $0x3F80  }
0x16f: {  	[hbm4b:s31+s25] =	stream.linear.scatter [tilespmem:s28], [sflag:$0x2], $0x80, $0x38;
	[tilespmem:$0x5000] =	vst v63  }
0x170: {  	_ =	swait.ge [sflag:s1], $0x400  }
0x171: {  	s30 =	sand.u32 $0x70, s25;
	s25 =	sand.u32 $0xE00, s25;
	[sflag:s1] =	ssyncset.done $0x0  }
0x172: {  	s26 =	sor.u32 s30, s25;
	[sflag:s1] =	ssyncadd.s32 $0xFFFFFC00  }
0x173: {  	v2 =	vld [tilespmem:s26+$0x180];
	_ =	sdelay $0x2  }
0x174: {  	s31 =	simm.s32 $0x10;
	s28 =	simm.s32 $0x40  }
0x175: {  	s25 =	sand.u32 $0x70, s31;
	s29 =	sand.u32 $0xE00, s28  }
0x176: {  	s25 =	sor.u32 s25, s29;
	vm13 =	veq.s32 v2, $0x4  }
0x177: {  	v1 =	vld [tilespmem:s25+$0x180];
	vm14 =	veq.s32 v2, $0x0;
	vm15 =	veq.s32 v2, $0x3;
	v5 =	vsel vm13, $0x3E800000, v0  }
0x178: {  	vm2 =	veq.s32 v2, $0x1;
	vm3 =	veq.s32 v2, $0x2;
	v6 =	vsel vm15, $0x3F800000, v5  }
0x179: {  	s29 =	simm.s32 $0x20;
	v4 =	vsel vm14, $0x3F800000, v5;
	v3 =	vsel vm2, $0x3F800000, v5;
	v2 =	vsel vm3, $0x3F800000, v5;
	[tilespmem:s26+$0x4180] =	vst v6  }
.LBB2_8:
0x17a: {  	s30 =	sand.u32 $0x70, s29;
	s28 =	sadd.s32 $0x40, s28;
	[tilespmem:s26+$0x4000] =	vst v4;
	p0 =	sne.s32 s29, $0x3F0  }
.Ltmp3:
0x17b: {  	s29 =	sadd.s32 $0x10, s29;
	s31 =	sand.u32 $0xE00, s28;
	[tilespmem:s26+$0x4080] =	vst v3;
	(pc) =	sbr.rel @p0 .LBB2_8-.Ltmp3, $4  }
0x17c: {  	vm0 =	veq.s32 v1, $0x4;
	vm1 =	veq.s32 v1, $0x0;
	vm2 =	veq.s32 v1, $0x1;
	[tilespmem:s26+$0x4100] =	vst v2;
	s26 =	smov.u32 s25;
	s25 =	sor.u32 s30, s31  }
0x17d: {  	vm3 =	veq.s32 v1, $0x3;
	v2 =	vsel vm0, $0x3E800000, v0;
	vm0 =	veq.s32 v1, $0x2;
	v1 =	vld [tilespmem:s25+$0x180]  }
0x17e: {  	v4 =	vsel vm1, $0x3F800000, v2;
	v3 =	vsel vm2, $0x3F800000, v2;
	v5 =	vsel vm3, $0x3F800000, v2  }
0x17f: {  	v2 =	vsel vm0, $0x3F800000, v2;
	[tilespmem:s26+$0x4180] =	vst v5  }
0x180: {  	_ =	sdelay $0x1  }
0x181: {  	[tilespmem:s26+$0x4000] =	vst v4;
	vm0 =	veq.s32 v1, $0x4  }
0x182: {  	[tilespmem:s26+$0x4080] =	vst v3;
	vm13 =	veq.s32 v1, $0x3;
	v3 =	vsel vm0, $0x3E800000, v0  }
0x183: {  	[tilespmem:s26+$0x4100] =	vst v2;
	vm1 =	veq.s32 v1, $0x0;
	v2 =	vsel vm13, $0x3F800000, v3  }
0x184: {  	vm14 =	veq.s32 v1, $0x1;
	v63 =	vsel vm1, $0x3F800000, v3;
	[tilespmem:s25+$0x4180] =	vst v2  }
0x185: {  	vm15 =	veq.s32 v1, $0x2;
	v1 =	vsel vm14, $0x3F800000, v3;
	[tilespmem:s25+$0x4000] =	vst v63  }
0x186: {  	v2 =	vsel vm15, $0x3F800000, v3;
	[tilespmem:s25+$0x4080] =	vst v1  }
0x187: {  	s26 =	simm.s32 $0x4000;
	[tilespmem:s25+$0x4100] =	vst v2  }
0x188: {  	[hbm4b:s19+s2] =	stream.linear.scatter [tilespmem:s26], [sflag:$0x2], $0x80, $0x38;
	[tilespmem:$0x5000] =	vst v63  }
0x189: {  	s28 =	sadd.s32 $0x40, s19;
	s29 =	simm.s32 $0x4200  }
0x18a: {  	[hbm4b:s28+s2] =	stream.linear.scatter [tilespmem:s29], [sflag:$0x2], $0x80, $0x38;
	[tilespmem:$0x5000] =	vst v63  }
0x18b: {  	s30 =	sadd.s32 $0x80, s19;
	s31 =	simm.s32 $0x4400  }
0x18c: {  	[hbm4b:s30+s2] =	stream.linear.scatter [tilespmem:s31], [sflag:$0x2], $0x80, $0x38;
	[tilespmem:$0x5000] =	vst v63  }
0x18d: {  	s28 =	sadd.s32 $0xC0, s19;
	s29 =	simm.s32 $0x4600  }
0x18e: {  	[hbm4b:s28+s2] =	stream.linear.scatter [tilespmem:s29], [sflag:$0x2], $0x80, $0x38;
	[tilespmem:$0x5000] =	vst v63  }
0x18f: {  	s30 =	sadd.s32 $0x100, s19;
	s31 =	simm.s32 $0x4800  }
0x190: {  	[hbm4b:s30+s2] =	stream.linear.scatter [tilespmem:s31], [sflag:$0x2], $0x80, $0x38;
	[tilespmem:$0x5000] =	vst v63  }
0x191: {  	s28 =	sadd.s32 $0x140, s19;
	s29 =	simm.s32 $0x4A00  }
0x192: {  	[hbm4b:s28+s2] =	stream.linear.scatter [tilespmem:s29], [sflag:$0x2], $0x80, $0x38;
	[tilespmem:$0x5000] =	vst v63  }
0x193: {  	s30 =	sadd.s32 $0x180, s19;
	s31 =	simm.s32 $0x4C00  }
0x194: {  	[hbm4b:s30+s2] =	stream.linear.scatter [tilespmem:s31], [sflag:$0x2], $0x80, $0x38;
	[tilespmem:$0x5000] =	vst v63  }
0x195: {  	s26 =	sadd.s32 $0x1C0, s19;
	s28 =	simm.s32 $0x4E00  }
0x196: {  	[hbm4b:s26+s2] =	stream.linear.scatter [tilespmem:s28], [sflag:$0x2], $0x80, $0x38;
	[tilespmem:$0x5000] =	vst v63  }
0x197: {  	s29 =	simm.s32 $0x4080  }
0x198: {  	[hbm4b:s20+s2] =	stream.linear.scatter [tilespmem:s29], [sflag:$0x2], $0x80, $0x38;
	[tilespmem:$0x5000] =	vst v63  }
0x199: {  	s30 =	sadd.s32 $0x40, s20;
	s31 =	simm.s32 $0x4280  }
0x19a: {  	[hbm4b:s30+s2] =	stream.linear.scatter [tilespmem:s31], [sflag:$0x2], $0x80, $0x38;
	[tilespmem:$0x5000] =	vst v63  }
0x19b: {  	s28 =	sadd.s32 $0x80, s20;
	s29 =	simm.s32 $0x4480  }
0x19c: {  	[hbm4b:s28+s2] =	stream.linear.scatter [tilespmem:s29], [sflag:$0x2], $0x80, $0x38;
	[tilespmem:$0x5000] =	vst v63  }
0x19d: {  	s30 =	sadd.s32 $0xC0, s20;
	s31 =	simm.s32 $0x4680  }
0x19e: {  	[hbm4b:s30+s2] =	stream.linear.scatter [tilespmem:s31], [sflag:$0x2], $0x80, $0x38;
	[tilespmem:$0x5000] =	vst v63  }
0x19f: {  	s28 =	sadd.s32 $0x100, s20;
	s29 =	simm.s32 $0x4880  }
0x1a0: {  	[hbm4b:s28+s2] =	stream.linear.scatter [tilespmem:s29], [sflag:$0x2], $0x80, $0x38;
	[tilespmem:$0x5000] =	vst v63  }
0x1a1: {  	s30 =	sadd.s32 $0x140, s20;
	s31 =	simm.s32 $0x4A80  }
0x1a2: {  	[hbm4b:s30+s2] =	stream.linear.scatter [tilespmem:s31], [sflag:$0x2], $0x80, $0x38;
	[tilespmem:$0x5000] =	vst v63  }
0x1a3: {  	s28 =	sadd.s32 $0x180, s20;
	s29 =	simm.s32 $0x4C80  }
0x1a4: {  	[hbm4b:s28+s2] =	stream.linear.scatter [tilespmem:s29], [sflag:$0x2], $0x80, $0x38;
	[tilespmem:$0x5000] =	vst v63  }
0x1a5: {  	s30 =	sadd.s32 $0x1C0, s20;
	s31 =	simm.s32 $0x4E80  }
0x1a6: {  	[hbm4b:s30+s2] =	stream.linear.scatter [tilespmem:s31], [sflag:$0x2], $0x80, $0x38;
	[tilespmem:$0x5000] =	vst v63  }
0x1a7: {  	s26 =	simm.s32 $0x4100  }
0x1a8: {  	[hbm4b:s21+s2] =	stream.linear.scatter [tilespmem:s26], [sflag:$0x2], $0x80, $0x38;
	[tilespmem:$0x5000] =	vst v63  }
0x1a9: {  	s28 =	sadd.s32 $0x40, s21;
	s29 =	simm.s32 $0x4300  }
0x1aa: {  	[hbm4b:s28+s2] =	stream.linear.scatter [tilespmem:s29], [sflag:$0x2], $0x80, $0x38;
	[tilespmem:$0x5000] =	vst v63  }
0x1ab: {  	s30 =	sadd.s32 $0x80, s21;
	s31 =	simm.s32 $0x4500  }
0x1ac: {  	[hbm4b:s30+s2] =	stream.linear.scatter [tilespmem:s31], [sflag:$0x2], $0x80, $0x38;
	[tilespmem:$0x5000] =	vst v63  }
0x1ad: {  	s28 =	sadd.s32 $0xC0, s21;
	s29 =	simm.s32 $0x4700  }
0x1ae: {  	[hbm4b:s28+s2] =	stream.linear.scatter [tilespmem:s29], [sflag:$0x2], $0x80, $0x38;
	[tilespmem:$0x5000] =	vst v63  }
0x1af: {  	s30 =	sadd.s32 $0x100, s21;
	s31 =	simm.s32 $0x4900  }
0x1b0: {  	[hbm4b:s30+s2] =	stream.linear.scatter [tilespmem:s31], [sflag:$0x2], $0x80, $0x38;
	[tilespmem:$0x5000] =	vst v63  }
0x1b1: {  	s28 =	sadd.s32 $0x140, s21;
	s29 =	simm.s32 $0x4B00  }
0x1b2: {  	[hbm4b:s28+s2] =	stream.linear.scatter [tilespmem:s29], [sflag:$0x2], $0x80, $0x38;
	[tilespmem:$0x5000] =	vst v63  }
0x1b3: {  	s30 =	sadd.s32 $0x180, s21;
	s31 =	simm.s32 $0x4D00  }
0x1b4: {  	[hbm4b:s30+s2] =	stream.linear.scatter [tilespmem:s31], [sflag:$0x2], $0x80, $0x38;
	[tilespmem:$0x5000] =	vst v63  }
0x1b5: {  	s26 =	sadd.s32 $0x1C0, s21;
	s28 =	simm.s32 $0x4F00  }
0x1b6: {  	[hbm4b:s26+s2] =	stream.linear.scatter [tilespmem:s28], [sflag:$0x2], $0x80, $0x38;
	[tilespmem:$0x5000] =	vst v63  }
0x1b7: {  	s29 =	simm.s32 $0x4180  }
0x1b8: {  	[hbm4b:s22+s2] =	stream.linear.scatter [tilespmem:s29], [sflag:$0x2], $0x80, $0x38;
	[tilespmem:$0x5000] =	vst v63  }
0x1b9: {  	s30 =	sadd.s32 $0x40, s22;
	s31 =	simm.s32 $0x4380  }
0x1ba: {  	[hbm4b:s30+s2] =	stream.linear.scatter [tilespmem:s31], [sflag:$0x2], $0x80, $0x38;
	[tilespmem:$0x5000] =	vst v63  }
0x1bb: {  	s28 =	sadd.s32 $0x80, s22;
	s29 =	simm.s32 $0x4580  }
0x1bc: {  	[hbm4b:s28+s2] =	stream.linear.scatter [tilespmem:s29], [sflag:$0x2], $0x80, $0x38;
	[tilespmem:$0x5000] =	vst v63  }
0x1bd: {  	s30 =	sadd.s32 $0xC0, s22;
	s31 =	simm.s32 $0x4780  }
0x1be: {  	[hbm4b:s30+s2] =	stream.linear.scatter [tilespmem:s31], [sflag:$0x2], $0x80, $0x38;
	[tilespmem:$0x5000] =	vst v63  }
0x1bf: {  	s28 =	sadd.s32 $0x100, s22;
	s29 =	simm.s32 $0x4980  }
0x1c0: {  	[hbm4b:s28+s2] =	stream.linear.scatter [tilespmem:s29], [sflag:$0x2], $0x80, $0x38;
	[tilespmem:$0x5000] =	vst v63  }
0x1c1: {  	s30 =	sadd.s32 $0x140, s22;
	s31 =	simm.s32 $0x4B80  }
0x1c2: {  	[hbm4b:s30+s2] =	stream.linear.scatter [tilespmem:s31], [sflag:$0x2], $0x80, $0x38;
	[tilespmem:$0x5000] =	vst v63  }
0x1c3: {  	s26 =	sadd.s32 $0x180, s22;
	s28 =	simm.s32 $0x4D80  }
0x1c4: {  	[hbm4b:s26+s2] =	stream.linear.scatter [tilespmem:s28], [sflag:$0x2], $0x80, $0x38;
	[tilespmem:$0x5000] =	vst v63  }
0x1c5: {  	s29 =	sadd.s32 $0x1C0, s22;
	s30 =	simm.s32 $0x4F80  }
0x1c6: {  	[hbm4b:s29+s2] =	stream.linear.scatter [tilespmem:s30], [sflag:$0x2], $0x80, $0x38;
	[tilespmem:$0x5000] =	vst v63  }
0x1c7: {  	_ =	swait.ge [sflag:s23], $0x400  }
0x1c8: {  	[sflag:s23] =	ssyncset.done $0x0  }
0x1c9: {  	[sflag:s23] =	ssyncadd.s32 $0xFFFFFC00  }
0x1ca: {  	_ =	swait.ge [sflag:s23], $0x400  }
0x1cb: {  	[sflag:s23] =	ssyncset.done $0x0  }
0x1cc: {  	[sflag:s23] =	ssyncadd.s32 $0xFFFFFC00  }
0x1cd: {  	_ =	swait.ge [sflag:s23], $0x400  }
0x1ce: {  	[sflag:s23] =	ssyncset.done $0x0  }
0x1cf: {  	[sflag:s23] =	ssyncadd.s32 $0xFFFFFC00  }
0x1d0: {  	_ =	swait.ge [sflag:s23], $0x400  }
0x1d1: {  	[sflag:s23] =	ssyncset.done $0x0  }
0x1d2: {  	[sflag:s23] =	ssyncadd.s32 $0xFFFFFC00  }
0x1d3: {  	_ =	swait.ge [sflag:s23], $0x400  }
0x1d4: {  	[sflag:s23] =	ssyncset.done $0x0  }
0x1d5: {  	[sflag:s23] =	ssyncadd.s32 $0xFFFFFC00  }
0x1d6: {  	_ =	swait.ge [sflag:s23], $0x400  }
0x1d7: {  	[sflag:s23] =	ssyncset.done $0x0  }
0x1d8: {  	[sflag:s23] =	ssyncadd.s32 $0xFFFFFC00  }
0x1d9: {  	_ =	swait.ge [sflag:s23], $0x400  }
0x1da: {  	[sflag:s23] =	ssyncset.done $0x0  }
0x1db: {  	[sflag:s23] =	ssyncadd.s32 $0xFFFFFC00  }
0x1dc: {  	_ =	swait.ge [sflag:s23], $0x400  }
0x1dd: {  	[sflag:s23] =	ssyncset.done $0x0  }
0x1de: {  	[sflag:s23] =	ssyncadd.s32 $0xFFFFFC00  }
0x1df: {  	_ =	swait.ge [sflag:s23], $0x400  }
0x1e0: {  	[sflag:s23] =	ssyncset.done $0x0  }
0x1e1: {  	[sflag:s23] =	ssyncadd.s32 $0xFFFFFC00  }
0x1e2: {  	_ =	swait.ge [sflag:s23], $0x400  }
0x1e3: {  	[sflag:s23] =	ssyncset.done $0x0  }
0x1e4: {  	[sflag:s23] =	ssyncadd.s32 $0xFFFFFC00  }
0x1e5: {  	_ =	swait.ge [sflag:s23], $0x400  }
0x1e6: {  	[sflag:s23] =	ssyncset.done $0x0  }
0x1e7: {  	[sflag:s23] =	ssyncadd.s32 $0xFFFFFC00  }
0x1e8: {  	_ =	swait.ge [sflag:s23], $0x400  }
0x1e9: {  	[sflag:s23] =	ssyncset.done $0x0  }
0x1ea: {  	[sflag:s23] =	ssyncadd.s32 $0xFFFFFC00  }
0x1eb: {  	_ =	swait.ge [sflag:s23], $0x400  }
0x1ec: {  	[sflag:s23] =	ssyncset.done $0x0  }
0x1ed: {  	[sflag:s23] =	ssyncadd.s32 $0xFFFFFC00  }
0x1ee: {  	_ =	swait.ge [sflag:s23], $0x400  }
0x1ef: {  	[sflag:s23] =	ssyncset.done $0x0  }
0x1f0: {  	[sflag:s23] =	ssyncadd.s32 $0xFFFFFC00  }
0x1f1: {  	_ =	swait.ge [sflag:s23], $0x400  }
0x1f2: {  	[sflag:s23] =	ssyncset.done $0x0  }
0x1f3: {  	[sflag:s23] =	ssyncadd.s32 $0xFFFFFC00  }
0x1f4: {  	_ =	swait.ge [sflag:s23], $0x400  }
0x1f5: {  	s24 =	sadd.s32 $0x1, s24;
	s31 =	rddreg [dreg:$0x3]  }
0x1f6: {  	p0 =	sne.s32 s24, s31  }
.Ltmp4:
0x1f7: {  	_ = 	snop;
	(pc) =	sbr.rel @p0 .LBB2_1-.Ltmp4, $3  }
0x1f8: {  	_ =	sdelay $0x1  }
0x1f9: {  	[sflag:s23] =	ssyncset.done $0x0  }
0x1fa: {  	[sflag:s23] =	ssyncadd.s32 $0xFFFFFC00  }
0x1fb: {  	_ =	sfence.sel $0x180000  }
0x1fc: {  	[bflag:$0x0] =	sbarrier.arrive $0xFFFF  }
0x1fd: {  	_ =	strace $0x90000047  }
0x1fe: {  	s0 =	stileid.u32;
	[bflag:$0x2] =	sbarrier.arrive $0xFFFF  }
0x1ff: {  	p0 =	sne.s32 s0, $0x0;
	s0 =	rddreg [dreg:$0x2]  }
0x200: {  	s0 =	sadd.s32 @!p0 $0x100000, s0  }
0x201: {  	[sflag:s0] =	ssyncadd.tile.s32 @!p0 $0x1;
	_ =	shalt  }
.Lfunc_end2:
_tile_overlayer_lowered:
.L_overlay_start_2:
0x202: {  	(tag) =	ssettag $0x2  }
0x203: {  	s0 =	rddreg [dreg:$0x0];
	s2 =	stileid.u32  }
0x204: {  	s1 =	rddreg [dreg:$0x1];
	p0 =	sne.s32 s2, $0x0  }
0x205: {  	s3 =	rddreg [dreg:$0x2];
	[bflag:$0x3] =	sbarrier.arrive $0xFFFF;
	s2 =	simm.s32 @!p0 $0x1C03  }
0x206: {  	[timem:s3], [sflag:s2] =	dma.local @!p0 [hbm:s0], s1  }
0x207: {  	s0 =	simm.s32 @!p0 $0x3  }
0x208: {  	_ =	swait.ge @!p0 [sflag:s0], s1  }
0x209: {  	s1 =	ssub.s32 @!p0 $0x0, s1;
	[sflag:s0] =	ssyncset.done @!p0 $0x0  }
0x20a: {  	[sflag:s0] =	ssyncadd.s32 @!p0 s1  }
0x20b: {  	[bflag:$0x3] =	sbarrier.arrive $0xFFFF  }
0x20c: {  	_ =	shalt  }

</sc_bundles>
